<compile_context>
chip_gen: v7x
topology: tpu7x:2x2x1
jax: 0.10.2.dev20260603
libtpu: 0.0.44.dev20260713+nightly
codegen_flags: <defaults>
</compile_context>

<pallas_src>
import functools

import jax
import jax.numpy as jnp
from jax import lax
from jax.experimental import pallas as pl
from jax.experimental.pallas import tpu as pltpu
from jax.experimental.pallas import tpu_sc as plsc

NN = 100000
NB = 2048
HID = 128
REL = 825
RELP = 832
LAB = 800
NBINS = NB * RELP
HALF = NBINS // 2
SEGH = NB // 2
STRIPE = HALF // 16
ZB = 4096
CHUNK = 6256
TAIL = NN - 15 * CHUNK
HREG = 6272
ROWS = 98
NVH = HREG // 16


def _sc_hist(seg_h, idx_h, seg_t, idx_t):
    mesh = plsc.VectorSubcoreMesh(core_axis_name="c", subcore_axis_name="s")

    @functools.partial(
        pl.kernel,
        out_type=jax.ShapeDtypeStruct((NBINS,), jnp.float32),
        mesh=mesh,
        scratch_types=[
            pltpu.VMEM((ROWS * 128,), jnp.int32),
            pltpu.VMEM((ROWS * 128,), jnp.int32),
            pltpu.VMEM((ROWS * 128,), jnp.int32),
            pltpu.VMEM((ROWS * 128,), jnp.float32),
            pltpu.VMEM((ZB,), jnp.float32),
            pltpu.VMEM_SHARED((HALF + 8,), jnp.float32),
            pltpu.SemaphoreType.DMA,
            pltpu.SemaphoreType.DMA,
        ],
    )
    def hist_kernel(segh_hbm, idxh_hbm, segt_hbm, idxt_hbm, out,
                    segv, idxv, comb, vals, zbuf, acc, ld_sem, z_sem):
        half = lax.axis_index("c")
        pos = lax.axis_index("s")
        zero16f = jnp.zeros((16,), jnp.float32)
        neg16i = jnp.full((16,), -1, jnp.int32)

        @pl.when(pos < 15)
        def _():
            segv[pl.ds(CHUNK, 16)] = neg16i
            segv[pl.ds(HREG + CHUNK, 16)] = neg16i

        @pl.when(pos == 15)
        def _():
            for t in range(7):
                segv[pl.ds(TAIL + t * 16, 16)] = neg16i
                segv[pl.ds(HREG + TAIL + t * 16, 16)] = neg16i

        def fire_loads(n):
            pltpu.async_copy(segh_hbm.at[pl.ds(pos * CHUNK, n)],
                             segv.at[pl.ds(0, n)], ld_sem)
            pltpu.async_copy(idxh_hbm.at[pl.ds(pos * CHUNK, n)],
                             idxv.at[pl.ds(0, n)], ld_sem)
            pltpu.async_copy(segt_hbm.at[pl.ds(pos * CHUNK, n)],
                             segv.at[pl.ds(HREG, n)], ld_sem)
            pltpu.async_copy(idxt_hbm.at[pl.ds(pos * CHUNK, n)],
                             idxv.at[pl.ds(HREG, n)], ld_sem)

        def drain_loads(n):
            pltpu.make_async_copy(segh_hbm.at[pl.ds(pos * CHUNK, n)],
                                  segv.at[pl.ds(0, n)], ld_sem).wait()
            pltpu.make_async_copy(idxh_hbm.at[pl.ds(pos * CHUNK, n)],
                                  idxv.at[pl.ds(0, n)], ld_sem).wait()
            pltpu.make_async_copy(segt_hbm.at[pl.ds(pos * CHUNK, n)],
                                  segv.at[pl.ds(HREG, n)], ld_sem).wait()
            pltpu.make_async_copy(idxt_hbm.at[pl.ds(pos * CHUNK, n)],
                                  idxv.at[pl.ds(HREG, n)], ld_sem).wait()

        @pl.when(pos < 15)
        def _():
            fire_loads(CHUNK)

        @pl.when(pos == 15)
        def _():
            fire_loads(TAIL)

        def fill_zbuf(i, carry):
            zbuf[pl.ds(i * 16, 16)] = zero16f
            return carry

        lax.fori_loop(0, ZB // 16, fill_zbuf, 0)

        for i in range(STRIPE // ZB):
            pltpu.async_copy(zbuf, acc.at[pl.ds(pos * STRIPE + i * ZB, ZB)],
                             z_sem)

        @pl.when(pos == 15)
        def _():
            pltpu.async_copy(zbuf.at[pl.ds(0, 8)], acc.at[pl.ds(HALF, 8)],
                             z_sem)

        @pl.when(pos < 15)
        def _():
            drain_loads(CHUNK)

        @pl.when(pos == 15)
        def _():
            drain_loads(TAIL)

        lo = half * SEGH

        def make_side(j0, j1, sgn):
            def body(j, carry):
                sv = segv[pl.ds(j * 16, 16)]
                iv = idxv[pl.ds(j * 16, 16)]
                ok = (sv >= lo) & (sv < lo + SEGH)
                comb[pl.ds(j * 16, 16)] = jnp.where(
                    ok, (sv - lo) * RELP + iv, HALF)
                vals[pl.ds(j * 16, 16)] = jnp.where(ok, sgn, 0.0)
                return carry

            lax.fori_loop(j0, j1, body, 0)

        make_side(0, NVH, 1.0)
        make_side(NVH, 2 * NVH, -1.0)

        for i in range(STRIPE // ZB):
            pltpu.make_async_copy(
                zbuf, acc.at[pl.ds(pos * STRIPE + i * ZB, ZB)], z_sem).wait()

        @pl.when(pos == 15)
        def _():
            pltpu.make_async_copy(zbuf.at[pl.ds(0, 8)],
                                  acc.at[pl.ds(HALF, 8)], z_sem).wait()

        plsc.subcore_barrier()

        pltpu.sync_copy(vals, acc.at[comb], add=True)

        plsc.subcore_barrier()

        pltpu.sync_copy(acc.at[pl.ds(pos * STRIPE, STRIPE)],
                        out.at[pl.ds(half * HALF + pos * STRIPE, STRIPE)])

    return hist_kernel(seg_h, idx_h, seg_t, idx_t)


def _tc_head(hist, rel, w, b2, labels3):
    BR = 256
    grid = NB // BR

    def body(h_ref, r_ref, w_ref, b_ref, lab_ref, logits_ref, loss_ref):
        i = pl.program_id(0)
        e = jnp.dot(h_ref[...], r_ref[...], preferred_element_type=jnp.float32)
        logits = jnp.dot(e, w_ref[...], preferred_element_type=jnp.float32) + b_ref[...]
        logits_ref[...] = logits
        m = jnp.max(logits, axis=-1, keepdims=True)
        lse = jnp.log(jnp.sum(jnp.exp(logits - m), axis=-1, keepdims=True)) + m
        lab = lab_ref[0, 0, :]
        cols = lax.broadcasted_iota(jnp.int32, (BR, LAB), 1)
        picked = jnp.sum(jnp.where(cols == lab[:, None], logits, 0.0),
                         axis=-1, keepdims=True)
        part = (jnp.sum(lse - picked) * (1.0 / NB)).reshape(1, 1)

        @pl.when(i == 0)
        def _():
            loss_ref[...] = jnp.zeros((1, 1), jnp.float32)

        loss_ref[...] += part

    return pl.pallas_call(
        body,
        grid=(grid,),
        in_specs=[
            pl.BlockSpec((BR, RELP), lambda i: (i, 0)),
            pl.BlockSpec((RELP, HID), lambda i: (0, 0)),
            pl.BlockSpec((HID, LAB), lambda i: (0, 0)),
            pl.BlockSpec((1, LAB), lambda i: (0, 0)),
            pl.BlockSpec((1, 1, BR), lambda i: (i, 0, 0)),
        ],
        out_specs=[
            pl.BlockSpec((BR, LAB), lambda i: (i, 0)),
            pl.BlockSpec((1, 1), lambda i: (0, 0)),
        ],
        out_shape=[
            jax.ShapeDtypeStruct((NB, LAB), jnp.float32),
            jax.ShapeDtypeStruct((1, 1), jnp.float32),
        ],
    )(hist, rel, w, b2, labels3)


def kernel(node_idx_h, edge_idx_h, seg_ids_h, node_idx_t, edge_idx_t,
           seg_ids_t, labels, rel_table, pat_table, W, b):
    del edge_idx_h, edge_idx_t, pat_table
    hist = _sc_hist(seg_ids_h.astype(jnp.int32), node_idx_h.astype(jnp.int32),
                    seg_ids_t.astype(jnp.int32), node_idx_t.astype(jnp.int32))
    hist = hist.reshape(NB, RELP)
    rel_pad = jnp.zeros((RELP, HID), jnp.float32).at[:REL].set(rel_table)
    labels3 = labels.astype(jnp.int32).reshape(NB // 256, 1, 256)
    logits, loss = _tc_head(hist, rel_pad, W, b.reshape(1, LAB), labels3)
    return logits, loss[0, 0]

# --- scband reference (transcript-rebuilt; emitter-appended) ---
"""Pipeline reference for scband-cls-6201932775993 (READ-ONLY COPY).

The authoritative reference and input builder live on the scoring server;
editing this copy changes nothing except your own understanding.
"""

import jax, jax.numpy as jnp
import numpy as np

N_NODES = 100000
N_EDGES = 500000
B = 2048
HID = 128
NUM_REL = 825
NUM_PAT = 10
NUM_LABELS = 800


def setup_inputs(seed: int = 0) -> dict:
    key = jax.random.key(seed)
    ks = jax.random.split(key, 12)
    node_idx_h = jax.random.randint(ks[0], (N_NODES,), 0, NUM_REL, dtype=jnp.int64 if jax.config.jax_enable_x64 else jnp.int32)
    edge_idx_h = jax.random.randint(ks[1], (N_EDGES,), 0, NUM_PAT)
    seg_ids_h = jnp.sort(jax.random.randint(ks[2], (N_NODES,), 0, B))
    node_idx_t = jax.random.randint(ks[3], (N_NODES,), 0, NUM_REL)
    edge_idx_t = jax.random.randint(ks[4], (N_EDGES,), 0, NUM_PAT)
    seg_ids_t = jnp.sort(jax.random.randint(ks[5], (N_NODES,), 0, B))
    labels = jax.random.randint(ks[6], (B,), 0, NUM_LABELS)
    rel_table = jax.random.normal(ks[7], (NUM_REL, HID), dtype=jnp.float32)
    pat_table = jax.random.normal(ks[8], (NUM_PAT, HID), dtype=jnp.float32)
    W = jax.random.normal(ks[9], (HID, NUM_LABELS), dtype=jnp.float32) * (1.0 / np.sqrt(HID))
    b = jnp.zeros((NUM_LABELS,), dtype=jnp.float32)
    return {
        'node_idx_h': node_idx_h, 'edge_idx_h': edge_idx_h, 'seg_ids_h': seg_ids_h,
        'node_idx_t': node_idx_t, 'edge_idx_t': edge_idx_t, 'seg_ids_t': seg_ids_t,
        'labels': labels, 'rel_table': rel_table, 'pat_table': pat_table, 'W': W, 'b': b,
    }


def reference(node_idx_h, edge_idx_h, seg_ids_h, node_idx_t, edge_idx_t, seg_ids_t, labels, rel_table, pat_table, W, b):
    # rel_h = rel_embedding(g_h.ndata['idx'])
    rel_h = jnp.take(rel_table, node_idx_h, axis=0)
    # pat_h computed in original forward but unused downstream (kept faithful)
    pat_h = jnp.take(pat_table, edge_idx_h, axis=0)
    # e_h = dgl.sum_nodes(g_h, 'f') -> segment sum of node features by graph id
    e_h = jax.ops.segment_sum(rel_h, seg_ids_h, num_segments=B)
    rel_t = jnp.take(rel_table, node_idx_t, axis=0)
    pat_t = jnp.take(pat_table, edge_idx_t, axis=0)
    e_t = jax.ops.segment_sum(rel_t, seg_ids_t, num_segments=B)
    e = e_h - e_t
    logits = e @ W + b
    # CrossEntropyLoss (mean reduction)
    logp = jax.nn.log_softmax(logits, axis=-1)
    loss = -jnp.mean(jnp.take_along_axis(logp, labels[:, None], axis=1)[:, 0])
    return (logits, loss)

if __name__ == "__main__":
    import jax
    _d = setup_inputs()
    print(jax.jit(kernel)(*tuple(_d.values())))

</pallas_src>

<mosaic_0001>
#map = affine_map<(d0, d1) -> (0)>
module attributes {stable_mosaic.version = 14 : i64} {
  func.func @hist_kernel(%arg0: i32, %arg1: i32, %arg2: memref<100000xi32, #tpu.memory_space<hbm>>, %arg3: memref<100000xi32, #tpu.memory_space<hbm>>, %arg4: memref<100000xi32, #tpu.memory_space<hbm>>, %arg5: memref<100000xi32, #tpu.memory_space<hbm>>, %arg6: memref<1703936xf32, #tpu.memory_space<hbm>>, %arg7: memref<12544xi32, #tpu.memory_space<vmem>>, %arg8: memref<12544xi32, #tpu.memory_space<vmem>>, %arg9: memref<12544xi32, #tpu.memory_space<vmem>>, %arg10: memref<12544xf32, #tpu.memory_space<vmem>>, %arg11: memref<4096xf32, #tpu.memory_space<vmem>>, %arg12: memref<851976xf32, #tpu.memory_space<vmem_shared>>, %arg13: memref<!tpu.dma_semaphore, #tpu.memory_space<semaphore_mem>>, %arg14: memref<!tpu.dma_semaphore, #tpu.memory_space<semaphore_mem>>) attributes {dimension_semantics = [#tpu.dimension_semantics<core_parallel>, #tpu.dimension_semantics<subcore_parallel>], iteration_bounds = array<i64: 2, 16>, scalar_prefetch = 0 : i64, scratch_operands = 8 : i64, tpu.core_type = #tpu.core_type<sc_vector_subcore>, window_params = [{transform_indices = #map}, {transform_indices = #map}, {transform_indices = #map}, {transform_indices = #map}, {transform_indices = #map}]} {
    %broadcast_in_dim3A = arith.constant 0.000000e+00 : f32
    %broadcast_in_dim3A_0 = vector.broadcast %broadcast_in_dim3A : f32 to vector<16xf32>
    %broadcast_in_dim3A_1 = arith.constant -1 : i32
    %broadcast_in_dim3A_2 = vector.broadcast %broadcast_in_dim3A_1 : i32 to vector<16xi32>
    %lt3A = arith.constant 15 : i32
    %lt3A_3 = arith.cmpi slt, %arg1, %lt3A : i32
    %convert_element_type3A = arith.extui %lt3A_3 : i1 to i32
    %cond3A = arith.constant 0 : i32
    %cond3A_4 = arith.cmpi ne, %convert_element_type3A, %cond3A : i32
    scf.if %cond3A_4 {
      %swap3A = arith.constant 6256 : index
      %swap3A_218 = tpu.vector_load %arg7[%swap3A] {strides = array<i32>} : memref<12544xi32, #tpu.memory_space<vmem>>, vector<16xi32>,
      %swap3A_219 = vector.shape_cast %swap3A_218 : vector<16xi32> to vector<16xi32>
      %swap3A_220 = vector.shape_cast %broadcast_in_dim3A_2 : vector<16xi32> to vector<16xi32>
      tpu.vector_store %arg7[%swap3A], %swap3A_220 {strides = array<i32>} : memref<12544xi32, #tpu.memory_space<vmem>>, vector<16xi32>,
      %swap3A_221 = arith.constant 12528 : index
      %swap3A_222 = tpu.vector_load %arg7[%swap3A_221] {strides = array<i32>} : memref<12544xi32, #tpu.memory_space<vmem>>, vector<16xi32>,
      %swap3A_223 = vector.shape_cast %swap3A_222 : vector<16xi32> to vector<16xi32>
      %swap3A_224 = vector.shape_cast %broadcast_in_dim3A_2 : vector<16xi32> to vector<16xi32>
      tpu.vector_store %arg7[%swap3A_221], %swap3A_224 {strides = array<i32>} : memref<12544xi32, #tpu.memory_space<vmem>>, vector<16xi32>,
    } else {
    }
    %eq3A = arith.constant 15 : i32
    %eq3A_5 = arith.cmpi eq, %arg1, %eq3A : i32
    %convert_element_type3A_6 = arith.extui %eq3A_5 : i1 to i32
    %cond3A_7 = arith.constant 0 : i32
    %cond3A_8 = arith.cmpi ne, %convert_element_type3A_6, %cond3A_7 : i32
    scf.if %cond3A_8 {
      %swap3A = arith.constant 6160 : index
      %swap3A_218 = tpu.vector_load %arg7[%swap3A] {strides = array<i32>} : memref<12544xi32, #tpu.memory_space<vmem>>, vector<16xi32>,
      %swap3A_219 = vector.shape_cast %swap3A_218 : vector<16xi32> to vector<16xi32>
      %swap3A_220 = vector.shape_cast %broadcast_in_dim3A_2 : vector<16xi32> to vector<16xi32>
      tpu.vector_store %arg7[%swap3A], %swap3A_220 {strides = array<i32>} : memref<12544xi32, #tpu.memory_space<vmem>>, vector<16xi32>,
      %swap3A_221 = arith.constant 12432 : index
      %swap3A_222 = tpu.vector_load %arg7[%swap3A_221] {strides = array<i32>} : memref<12544xi32, #tpu.memory_space<vmem>>, vector<16xi32>,
      %swap3A_223 = vector.shape_cast %swap3A_222 : vector<16xi32> to vector<16xi32>
      %swap3A_224 = vector.shape_cast %broadcast_in_dim3A_2 : vector<16xi32> to vector<16xi32>
      tpu.vector_store %arg7[%swap3A_221], %swap3A_224 {strides = array<i32>} : memref<12544xi32, #tpu.memory_space<vmem>>, vector<16xi32>,
      %swap3A_225 = arith.constant 6176 : index
      %swap3A_226 = tpu.vector_load %arg7[%swap3A_225] {strides = array<i32>} : memref<12544xi32, #tpu.memory_space<vmem>>, vector<16xi32>,
      %swap3A_227 = vector.shape_cast %swap3A_226 : vector<16xi32> to vector<16xi32>
      %swap3A_228 = vector.shape_cast %broadcast_in_dim3A_2 : vector<16xi32> to vector<16xi32>
      tpu.vector_store %arg7[%swap3A_225], %swap3A_228 {strides = array<i32>} : memref<12544xi32, #tpu.memory_space<vmem>>, vector<16xi32>,
      %swap3A_229 = arith.constant 12448 : index
      %swap3A_230 = tpu.vector_load %arg7[%swap3A_229] {strides = array<i32>} : memref<12544xi32, #tpu.memory_space<vmem>>, vector<16xi32>,
      %swap3A_231 = vector.shape_cast %swap3A_230 : vector<16xi32> to vector<16xi32>
      %swap3A_232 = vector.shape_cast %broadcast_in_dim3A_2 : vector<16xi32> to vector<16xi32>
      tpu.vector_store %arg7[%swap3A_229], %swap3A_232 {strides = array<i32>} : memref<12544xi32, #tpu.memory_space<vmem>>, vector<16xi32>,
      %swap3A_233 = arith.constant 6192 : index
      %swap3A_234 = tpu.vector_load %arg7[%swap3A_233] {strides = array<i32>} : memref<12544xi32, #tpu.memory_space<vmem>>, vector<16xi32>,
      %swap3A_235 = vector.shape_cast %swap3A_234 : vector<16xi32> to vector<16xi32>
      %swap3A_236 = vector.shape_cast %broadcast_in_dim3A_2 : vector<16xi32> to vector<16xi32>
      tpu.vector_store %arg7[%swap3A_233], %swap3A_236 {strides = array<i32>} : memref<12544xi32, #tpu.memory_space<vmem>>, vector<16xi32>,
      %swap3A_237 = arith.constant 12464 : index
      %swap3A_238 = tpu.vector_load %arg7[%swap3A_237] {strides = array<i32>} : memref<12544xi32, #tpu.memory_space<vmem>>, vector<16xi32>,
      %swap3A_239 = vector.shape_cast %swap3A_238 : vector<16xi32> to vector<16xi32>
      %swap3A_240 = vector.shape_cast %broadcast_in_dim3A_2 : vector<16xi32> to vector<16xi32>
      tpu.vector_store %arg7[%swap3A_237], %swap3A_240 {strides = array<i32>} : memref<12544xi32, #tpu.memory_space<vmem>>, vector<16xi32>,
      %swap3A_241 = arith.constant 6208 : index
      %swap3A_242 = tpu.vector_load %arg7[%swap3A_241] {strides = array<i32>} : memref<12544xi32, #tpu.memory_space<vmem>>, vector<16xi32>,
      %swap3A_243 = vector.shape_cast %swap3A_242 : vector<16xi32> to vector<16xi32>
      %swap3A_244 = vector.shape_cast %broadcast_in_dim3A_2 : vector<16xi32> to vector<16xi32>
      tpu.vector_store %arg7[%swap3A_241], %swap3A_244 {strides = array<i32>} : memref<12544xi32, #tpu.memory_space<vmem>>, vector<16xi32>,
      %swap3A_245 = arith.constant 12480 : index
      %swap3A_246 = tpu.vector_load %arg7[%swap3A_245] {strides = array<i32>} : memref<12544xi32, #tpu.memory_space<vmem>>, vector<16xi32>,
      %swap3A_247 = vector.shape_cast %swap3A_246 : vector<16xi32> to vector<16xi32>
      %swap3A_248 = vector.shape_cast %broadcast_in_dim3A_2 : vector<16xi32> to vector<16xi32>
      tpu.vector_store %arg7[%swap3A_245], %swap3A_248 {strides = array<i32>} : memref<12544xi32, #tpu.memory_space<vmem>>, vector<16xi32>,
      %swap3A_249 = arith.constant 6224 : index
      %swap3A_250 = tpu.vector_load %arg7[%swap3A_249] {strides = array<i32>} : memref<12544xi32, #tpu.memory_space<vmem>>, vector<16xi32>,
      %swap3A_251 = vector.shape_cast %swap3A_250 : vector<16xi32> to vector<16xi32>
      %swap3A_252 = vector.shape_cast %broadcast_in_dim3A_2 : vector<16xi32> to vector<16xi32>
      tpu.vector_store %arg7[%swap3A_249], %swap3A_252 {strides = array<i32>} : memref<12544xi32, #tpu.memory_space<vmem>>, vector<16xi32>,
      %swap3A_253 = arith.constant 12496 : index
      %swap3A_254 = tpu.vector_load %arg7[%swap3A_253] {strides = array<i32>} : memref<12544xi32, #tpu.memory_space<vmem>>, vector<16xi32>,
      %swap3A_255 = vector.shape_cast %swap3A_254 : vector<16xi32> to vector<16xi32>
      %swap3A_256 = vector.shape_cast %broadcast_in_dim3A_2 : vector<16xi32> to vector<16xi32>
      tpu.vector_store %arg7[%swap3A_253], %swap3A_256 {strides = array<i32>} : memref<12544xi32, #tpu.memory_space<vmem>>, vector<16xi32>,
      %swap3A_257 = arith.constant 6240 : index
      %swap3A_258 = tpu.vector_load %arg7[%swap3A_257] {strides = array<i32>} : memref<12544xi32, #tpu.memory_space<vmem>>, vector<16xi32>,
      %swap3A_259 = vector.shape_cast %swap3A_258 : vector<16xi32> to vector<16xi32>
      %swap3A_260 = vector.shape_cast %broadcast_in_dim3A_2 : vector<16xi32> to vector<16xi32>
      tpu.vector_store %arg7[%swap3A_257], %swap3A_260 {strides = array<i32>} : memref<12544xi32, #tpu.memory_space<vmem>>, vector<16xi32>,
      %swap3A_261 = arith.constant 12512 : index
      %swap3A_262 = tpu.vector_load %arg7[%swap3A_261] {strides = array<i32>} : memref<12544xi32, #tpu.memory_space<vmem>>, vector<16xi32>,
      %swap3A_263 = vector.shape_cast %swap3A_262 : vector<16xi32> to vector<16xi32>
      %swap3A_264 = vector.shape_cast %broadcast_in_dim3A_2 : vector<16xi32> to vector<16xi32>
      tpu.vector_store %arg7[%swap3A_261], %swap3A_264 {strides = array<i32>} : memref<12544xi32, #tpu.memory_space<vmem>>, vector<16xi32>,
      %swap3A_265 = arith.constant 6256 : index
      %swap3A_266 = tpu.vector_load %arg7[%swap3A_265] {strides = array<i32>} : memref<12544xi32, #tpu.memory_space<vmem>>, vector<16xi32>,
      %swap3A_267 = vector.shape_cast %swap3A_266 : vector<16xi32> to vector<16xi32>
      %swap3A_268 = vector.shape_cast %broadcast_in_dim3A_2 : vector<16xi32> to vector<16xi32>
      tpu.vector_store %arg7[%swap3A_265], %swap3A_268 {strides = array<i32>} : memref<12544xi32, #tpu.memory_space<vmem>>, vector<16xi32>,
      %swap3A_269 = arith.constant 12528 : index
      %swap3A_270 = tpu.vector_load %arg7[%swap3A_269] {strides = array<i32>} : memref<12544xi32, #tpu.memory_space<vmem>>, vector<16xi32>,
      %swap3A_271 = vector.shape_cast %swap3A_270 : vector<16xi32> to vector<16xi32>
      %swap3A_272 = vector.shape_cast %broadcast_in_dim3A_2 : vector<16xi32> to vector<16xi32>
      tpu.vector_store %arg7[%swap3A_269], %swap3A_272 {strides = array<i32>} : memref<12544xi32, #tpu.memory_space<vmem>>, vector<16xi32>,
    } else {
    }
    %lt3A_9 = arith.constant 15 : i32
    %lt3A_10 = arith.cmpi slt, %arg1, %lt3A_9 : i32
    %convert_element_type3A_11 = arith.extui %lt3A_10 : i1 to i32
    %cond3A_12 = arith.constant 0 : i32
    %cond3A_13 = arith.cmpi ne, %convert_element_type3A_11, %cond3A_12 : i32
    scf.if %cond3A_13 {
      %mul3A_218 = arith.constant 6256 : i32
      %mul3A_219 = arith.muli %arg1, %mul3A_218 : i32
      %dma_start3A_220 = arith.constant 0 : i32
      %dma_start3A_221 = tpu.memref_slice %arg7[%dma_start3A_220] : memref<12544xi32, #tpu.memory_space<vmem>> -> memref<6256xi32, #tpu.memory_space<vmem>>
      %dma_start3A_222 = tpu.memref_slice %arg2[%mul3A_219] : memref<100000xi32, #tpu.memory_space<hbm>> -> memref<6256xi32, #tpu.memory_space<hbm>>
      %dma_start3A_223 = arith.constant 0 : i32
      %dma_start3A_224 = tpu.memref_slice %arg7[%dma_start3A_223] : memref<12544xi32, #tpu.memory_space<vmem>> -> memref<6256xi32, #tpu.memory_space<vmem>>
      %dma_start3A_225 = tpu.memref_slice %arg2[%mul3A_219] : memref<100000xi32, #tpu.memory_space<hbm>> -> memref<6256xi32, #tpu.memory_space<hbm>>
      tpu.enqueue_dma source(%dma_start3A_225 : memref<6256xi32, #tpu.memory_space<hbm>>) target(%dma_start3A_224 : memref<6256xi32, #tpu.memory_space<vmem>>) target_semaphore(%arg13 : memref<!tpu.dma_semaphore, #tpu.memory_space<semaphore_mem>>)
      %mul3A_226 = arith.constant 6256 : i32
      %mul3A_227 = arith.muli %arg1, %mul3A_226 : i32
      %dma_start3A_228 = arith.constant 0 : i32
      %dma_start3A_229 = tpu.memref_slice %arg8[%dma_start3A_228] : memref<12544xi32, #tpu.memory_space<vmem>> -> memref<6256xi32, #tpu.memory_space<vmem>>
      %dma_start3A_230 = tpu.memref_slice %arg3[%mul3A_227] : memref<100000xi32, #tpu.memory_space<hbm>> -> memref<6256xi32, #tpu.memory_space<hbm>>
      %dma_start3A_231 = arith.constant 0 : i32
      %dma_start3A_232 = tpu.memref_slice %arg8[%dma_start3A_231] : memref<12544xi32, #tpu.memory_space<vmem>> -> memref<6256xi32, #tpu.memory_space<vmem>>
      %dma_start3A_233 = tpu.memref_slice %arg3[%mul3A_227] : memref<100000xi32, #tpu.memory_space<hbm>> -> memref<6256xi32, #tpu.memory_space<hbm>>
      tpu.enqueue_dma source(%dma_start3A_233 : memref<6256xi32, #tpu.memory_space<hbm>>) target(%dma_start3A_232 : memref<6256xi32, #tpu.memory_space<vmem>>) target_semaphore(%arg13 : memref<!tpu.dma_semaphore, #tpu.memory_space<semaphore_mem>>)
      %mul3A_234 = arith.constant 6256 : i32
      %mul3A_235 = arith.muli %arg1, %mul3A_234 : i32
      %dma_start3A_236 = arith.constant 6272 : i32
      %dma_start3A_237 = tpu.memref_slice %arg7[%dma_start3A_236] : memref<12544xi32, #tpu.memory_space<vmem>> -> memref<6256xi32, #tpu.memory_space<vmem>>
      %dma_start3A_238 = tpu.memref_slice %arg4[%mul3A_235] : memref<100000xi32, #tpu.memory_space<hbm>> -> memref<6256xi32, #tpu.memory_space<hbm>>
      %dma_start3A_239 = arith.constant 6272 : i32
      %dma_start3A_240 = tpu.memref_slice %arg7[%dma_start3A_239] : memref<12544xi32, #tpu.memory_space<vmem>> -> memref<6256xi32, #tpu.memory_space<vmem>>
      %dma_start3A_241 = tpu.memref_slice %arg4[%mul3A_235] : memref<100000xi32, #tpu.memory_space<hbm>> -> memref<6256xi32, #tpu.memory_space<hbm>>
      tpu.enqueue_dma source(%dma_start3A_241 : memref<6256xi32, #tpu.memory_space<hbm>>) target(%dma_start3A_240 : memref<6256xi32, #tpu.memory_space<vmem>>) target_semaphore(%arg13 : memref<!tpu.dma_semaphore, #tpu.memory_space<semaphore_mem>>)
      %mul3A_242 = arith.constant 6256 : i32
      %mul3A_243 = arith.muli %arg1, %mul3A_242 : i32
      %dma_start3A_244 = arith.constant 6272 : i32
      %dma_start3A_245 = tpu.memref_slice %arg8[%dma_start3A_244] : memref<12544xi32, #tpu.memory_space<vmem>> -> memref<6256xi32, #tpu.memory_space<vmem>>
      %dma_start3A_246 = tpu.memref_slice %arg5[%mul3A_243] : memref<100000xi32, #tpu.memory_space<hbm>> -> memref<6256xi32, #tpu.memory_space<hbm>>
      %dma_start3A_247 = arith.constant 6272 : i32
      %dma_start3A_248 = tpu.memref_slice %arg8[%dma_start3A_247] : memref<12544xi32, #tpu.memory_space<vmem>> -> memref<6256xi32, #tpu.memory_space<vmem>>
      %dma_start3A_249 = tpu.memref_slice %arg5[%mul3A_243] : memref<100000xi32, #tpu.memory_space<hbm>> -> memref<6256xi32, #tpu.memory_space<hbm>>
      tpu.enqueue_dma source(%dma_start3A_249 : memref<6256xi32, #tpu.memory_space<hbm>>) target(%dma_start3A_248 : memref<6256xi32, #tpu.memory_space<vmem>>) target_semaphore(%arg13 : memref<!tpu.dma_semaphore, #tpu.memory_space<semaphore_mem>>)
    } else {
    }
    %eq3A_14 = arith.constant 15 : i32
    %eq3A_15 = arith.cmpi eq, %arg1, %eq3A_14 : i32
    %convert_element_type3A_16 = arith.extui %eq3A_15 : i1 to i32
    %cond3A_17 = arith.constant 0 : i32
    %cond3A_18 = arith.cmpi ne, %convert_element_type3A_16, %cond3A_17 : i32
    scf.if %cond3A_18 {
      %mul3A_218 = arith.constant 6256 : i32
      %mul3A_219 = arith.muli %arg1, %mul3A_218 : i32
      %dma_start3A_220 = arith.constant 0 : i32
      %dma_start3A_221 = tpu.memref_slice %arg7[%dma_start3A_220] : memref<12544xi32, #tpu.memory_space<vmem>> -> memref<6160xi32, #tpu.memory_space<vmem>>
      %dma_start3A_222 = tpu.memref_slice %arg2[%mul3A_219] : memref<100000xi32, #tpu.memory_space<hbm>> -> memref<6160xi32, #tpu.memory_space<hbm>>
      %dma_start3A_223 = arith.constant 0 : i32
      %dma_start3A_224 = tpu.memref_slice %arg7[%dma_start3A_223] : memref<12544xi32, #tpu.memory_space<vmem>> -> memref<6160xi32, #tpu.memory_space<vmem>>
      %dma_start3A_225 = tpu.memref_slice %arg2[%mul3A_219] : memref<100000xi32, #tpu.memory_space<hbm>> -> memref<6160xi32, #tpu.memory_space<hbm>>
      tpu.enqueue_dma source(%dma_start3A_225 : memref<6160xi32, #tpu.memory_space<hbm>>) target(%dma_start3A_224 : memref<6160xi32, #tpu.memory_space<vmem>>) target_semaphore(%arg13 : memref<!tpu.dma_semaphore, #tpu.memory_space<semaphore_mem>>)
      %mul3A_226 = arith.constant 6256 : i32
      %mul3A_227 = arith.muli %arg1, %mul3A_226 : i32
      %dma_start3A_228 = arith.constant 0 : i32
      %dma_start3A_229 = tpu.memref_slice %arg8[%dma_start3A_228] : memref<12544xi32, #tpu.memory_space<vmem>> -> memref<6160xi32, #tpu.memory_space<vmem>>
      %dma_start3A_230 = tpu.memref_slice %arg3[%mul3A_227] : memref<100000xi32, #tpu.memory_space<hbm>> -> memref<6160xi32, #tpu.memory_space<hbm>>
      %dma_start3A_231 = arith.constant 0 : i32
      %dma_start3A_232 = tpu.memref_slice %arg8[%dma_start3A_231] : memref<12544xi32, #tpu.memory_space<vmem>> -> memref<6160xi32, #tpu.memory_space<vmem>>
      %dma_start3A_233 = tpu.memref_slice %arg3[%mul3A_227] : memref<100000xi32, #tpu.memory_space<hbm>> -> memref<6160xi32, #tpu.memory_space<hbm>>
      tpu.enqueue_dma source(%dma_start3A_233 : memref<6160xi32, #tpu.memory_space<hbm>>) target(%dma_start3A_232 : memref<6160xi32, #tpu.memory_space<vmem>>) target_semaphore(%arg13 : memref<!tpu.dma_semaphore, #tpu.memory_space<semaphore_mem>>)
      %mul3A_234 = arith.constant 6256 : i32
      %mul3A_235 = arith.muli %arg1, %mul3A_234 : i32
      %dma_start3A_236 = arith.constant 6272 : i32
      %dma_start3A_237 = tpu.memref_slice %arg7[%dma_start3A_236] : memref<12544xi32, #tpu.memory_space<vmem>> -> memref<6160xi32, #tpu.memory_space<vmem>>
      %dma_start3A_238 = tpu.memref_slice %arg4[%mul3A_235] : memref<100000xi32, #tpu.memory_space<hbm>> -> memref<6160xi32, #tpu.memory_space<hbm>>
      %dma_start3A_239 = arith.constant 6272 : i32
      %dma_start3A_240 = tpu.memref_slice %arg7[%dma_start3A_239] : memref<12544xi32, #tpu.memory_space<vmem>> -> memref<6160xi32, #tpu.memory_space<vmem>>
      %dma_start3A_241 = tpu.memref_slice %arg4[%mul3A_235] : memref<100000xi32, #tpu.memory_space<hbm>> -> memref<6160xi32, #tpu.memory_space<hbm>>
      tpu.enqueue_dma source(%dma_start3A_241 : memref<6160xi32, #tpu.memory_space<hbm>>) target(%dma_start3A_240 : memref<6160xi32, #tpu.memory_space<vmem>>) target_semaphore(%arg13 : memref<!tpu.dma_semaphore, #tpu.memory_space<semaphore_mem>>)
      %mul3A_242 = arith.constant 6256 : i32
      %mul3A_243 = arith.muli %arg1, %mul3A_242 : i32
      %dma_start3A_244 = arith.constant 6272 : i32
      %dma_start3A_245 = tpu.memref_slice %arg8[%dma_start3A_244] : memref<12544xi32, #tpu.memory_space<vmem>> -> memref<6160xi32, #tpu.memory_space<vmem>>
      %dma_start3A_246 = tpu.memref_slice %arg5[%mul3A_243] : memref<100000xi32, #tpu.memory_space<hbm>> -> memref<6160xi32, #tpu.memory_space<hbm>>
      %dma_start3A_247 = arith.constant 6272 : i32
      %dma_start3A_248 = tpu.memref_slice %arg8[%dma_start3A_247] : memref<12544xi32, #tpu.memory_space<vmem>> -> memref<6160xi32, #tpu.memory_space<vmem>>
      %dma_start3A_249 = tpu.memref_slice %arg5[%mul3A_243] : memref<100000xi32, #tpu.memory_space<hbm>> -> memref<6160xi32, #tpu.memory_space<hbm>>
      tpu.enqueue_dma source(%dma_start3A_249 : memref<6160xi32, #tpu.memory_space<hbm>>) target(%dma_start3A_248 : memref<6160xi32, #tpu.memory_space<vmem>>) target_semaphore(%arg13 : memref<!tpu.dma_semaphore, #tpu.memory_space<semaphore_mem>>)
    } else {
    }
    %scan3A = arith.constant 0 : i32
    %scan3A_19 = arith.constant 0 : i32
    %scan3A_20 = arith.constant 256 : i32
    %scan3A_21 = arith.addi %scan3A_19, %scan3A_20 : i32
    %scan3A_22 = arith.constant 1 : i32
    scf.for %scan3A_218 = %scan3A_19 to %scan3A_21 step %scan3A_22  : i32 {
      %mul3A_219 = arith.constant 16 : i32
      %mul3A_220 = arith.muli %scan3A_218, %mul3A_219 : i32
      %swap3A = arith.index_cast %mul3A_220 : i32 to index
      %swap3A_221 = tpu.vector_load %arg11[%swap3A] {strides = array<i32>} : memref<4096xf32, #tpu.memory_space<vmem>>, vector<16xf32>,
      %swap3A_222 = vector.shape_cast %swap3A_221 : vector<16xf32> to vector<16xf32>
      %swap3A_223 = vector.shape_cast %broadcast_in_dim3A_0 : vector<16xf32> to vector<16xf32>
      tpu.vector_store %arg11[%swap3A], %swap3A_223 {strides = array<i32>} : memref<4096xf32, #tpu.memory_space<vmem>>, vector<16xf32>,
    }
    %scan3A_23 = arith.constant 256 : i32
    %mul3A = arith.constant 53248 : i32
    %mul3A_24 = arith.muli %arg1, %mul3A : i32
    %add3A = arith.constant 0 : i32
    %add3A_25 = arith.addi %mul3A_24, %add3A : i32
    %dma_start3A = tpu.memref_slice %arg12[%add3A_25] : memref<851976xf32, #tpu.memory_space<vmem_shared>> -> memref<4096xf32, #tpu.memory_space<vmem_shared>>
    %dma_start3A_26 = tpu.memref_slice %arg12[%add3A_25] : memref<851976xf32, #tpu.memory_space<vmem_shared>> -> memref<4096xf32, #tpu.memory_space<vmem_shared>>
    tpu.enqueue_dma source(%arg11 : memref<4096xf32, #tpu.memory_space<vmem>>) target(%dma_start3A_26 : memref<4096xf32, #tpu.memory_space<vmem_shared>>) target_semaphore(%arg14 : memref<!tpu.dma_semaphore, #tpu.memory_space<semaphore_mem>>)
    %mul3A_27 = arith.constant 53248 : i32
    %mul3A_28 = arith.muli %arg1, %mul3A_27 : i32
    %add3A_29 = arith.constant 4096 : i32
    %add3A_30 = arith.addi %mul3A_28, %add3A_29 : i32
    %dma_start3A_31 = tpu.memref_slice %arg12[%add3A_30] : memref<851976xf32, #tpu.memory_space<vmem_shared>> -> memref<4096xf32, #tpu.memory_space<vmem_shared>>
    %dma_start3A_32 = tpu.memref_slice %arg12[%add3A_30] : memref<851976xf32, #tpu.memory_space<vmem_shared>> -> memref<4096xf32, #tpu.memory_space<vmem_shared>>
    tpu.enqueue_dma source(%arg11 : memref<4096xf32, #tpu.memory_space<vmem>>) target(%dma_start3A_32 : memref<4096xf32, #tpu.memory_space<vmem_shared>>) target_semaphore(%arg14 : memref<!tpu.dma_semaphore, #tpu.memory_space<semaphore_mem>>)
    %mul3A_33 = arith.constant 53248 : i32
    %mul3A_34 = arith.muli %arg1, %mul3A_33 : i32
    %add3A_35 = arith.constant 8192 : i32
    %add3A_36 = arith.addi %mul3A_34, %add3A_35 : i32
    %dma_start3A_37 = tpu.memref_slice %arg12[%add3A_36] : memref<851976xf32, #tpu.memory_space<vmem_shared>> -> memref<4096xf32, #tpu.memory_space<vmem_shared>>
    %dma_start3A_38 = tpu.memref_slice %arg12[%add3A_36] : memref<851976xf32, #tpu.memory_space<vmem_shared>> -> memref<4096xf32, #tpu.memory_space<vmem_shared>>
    tpu.enqueue_dma source(%arg11 : memref<4096xf32, #tpu.memory_space<vmem>>) target(%dma_start3A_38 : memref<4096xf32, #tpu.memory_space<vmem_shared>>) target_semaphore(%arg14 : memref<!tpu.dma_semaphore, #tpu.memory_space<semaphore_mem>>)
    %mul3A_39 = arith.constant 53248 : i32
    %mul3A_40 = arith.muli %arg1, %mul3A_39 : i32
    %add3A_41 = arith.constant 12288 : i32
    %add3A_42 = arith.addi %mul3A_40, %add3A_41 : i32
    %dma_start3A_43 = tpu.memref_slice %arg12[%add3A_42] : memref<851976xf32, #tpu.memory_space<vmem_shared>> -> memref<4096xf32, #tpu.memory_space<vmem_shared>>
    %dma_start3A_44 = tpu.memref_slice %arg12[%add3A_42] : memref<851976xf32, #tpu.memory_space<vmem_shared>> -> memref<4096xf32, #tpu.memory_space<vmem_shared>>
    tpu.enqueue_dma source(%arg11 : memref<4096xf32, #tpu.memory_space<vmem>>) target(%dma_start3A_44 : memref<4096xf32, #tpu.memory_space<vmem_shared>>) target_semaphore(%arg14 : memref<!tpu.dma_semaphore, #tpu.memory_space<semaphore_mem>>)
    %mul3A_45 = arith.constant 53248 : i32
    %mul3A_46 = arith.muli %arg1, %mul3A_45 : i32
    %add3A_47 = arith.constant 16384 : i32
    %add3A_48 = arith.addi %mul3A_46, %add3A_47 : i32
    %dma_start3A_49 = tpu.memref_slice %arg12[%add3A_48] : memref<851976xf32, #tpu.memory_space<vmem_shared>> -> memref<4096xf32, #tpu.memory_space<vmem_shared>>
    %dma_start3A_50 = tpu.memref_slice %arg12[%add3A_48] : memref<851976xf32, #tpu.memory_space<vmem_shared>> -> memref<4096xf32, #tpu.memory_space<vmem_shared>>
    tpu.enqueue_dma source(%arg11 : memref<4096xf32, #tpu.memory_space<vmem>>) target(%dma_start3A_50 : memref<4096xf32, #tpu.memory_space<vmem_shared>>) target_semaphore(%arg14 : memref<!tpu.dma_semaphore, #tpu.memory_space<semaphore_mem>>)
    %mul3A_51 = arith.constant 53248 : i32
    %mul3A_52 = arith.muli %arg1, %mul3A_51 : i32
    %add3A_53 = arith.constant 20480 : i32
    %add3A_54 = arith.addi %mul3A_52, %add3A_53 : i32
    %dma_start3A_55 = tpu.memref_slice %arg12[%add3A_54] : memref<851976xf32, #tpu.memory_space<vmem_shared>> -> memref<4096xf32, #tpu.memory_space<vmem_shared>>
    %dma_start3A_56 = tpu.memref_slice %arg12[%add3A_54] : memref<851976xf32, #tpu.memory_space<vmem_shared>> -> memref<4096xf32, #tpu.memory_space<vmem_shared>>
    tpu.enqueue_dma source(%arg11 : memref<4096xf32, #tpu.memory_space<vmem>>) target(%dma_start3A_56 : memref<4096xf32, #tpu.memory_space<vmem_shared>>) target_semaphore(%arg14 : memref<!tpu.dma_semaphore, #tpu.memory_space<semaphore_mem>>)
    %mul3A_57 = arith.constant 53248 : i32
    %mul3A_58 = arith.muli %arg1, %mul3A_57 : i32
    %add3A_59 = arith.constant 24576 : i32
    %add3A_60 = arith.addi %mul3A_58, %add3A_59 : i32
    %dma_start3A_61 = tpu.memref_slice %arg12[%add3A_60] : memref<851976xf32, #tpu.memory_space<vmem_shared>> -> memref<4096xf32, #tpu.memory_space<vmem_shared>>
    %dma_start3A_62 = tpu.memref_slice %arg12[%add3A_60] : memref<851976xf32, #tpu.memory_space<vmem_shared>> -> memref<4096xf32, #tpu.memory_space<vmem_shared>>
    tpu.enqueue_dma source(%arg11 : memref<4096xf32, #tpu.memory_space<vmem>>) target(%dma_start3A_62 : memref<4096xf32, #tpu.memory_space<vmem_shared>>) target_semaphore(%arg14 : memref<!tpu.dma_semaphore, #tpu.memory_space<semaphore_mem>>)
    %mul3A_63 = arith.constant 53248 : i32
    %mul3A_64 = arith.muli %arg1, %mul3A_63 : i32
    %add3A_65 = arith.constant 28672 : i32
    %add3A_66 = arith.addi %mul3A_64, %add3A_65 : i32
    %dma_start3A_67 = tpu.memref_slice %arg12[%add3A_66] : memref<851976xf32, #tpu.memory_space<vmem_shared>> -> memref<4096xf32, #tpu.memory_space<vmem_shared>>
    %dma_start3A_68 = tpu.memref_slice %arg12[%add3A_66] : memref<851976xf32, #tpu.memory_space<vmem_shared>> -> memref<4096xf32, #tpu.memory_space<vmem_shared>>
    tpu.enqueue_dma source(%arg11 : memref<4096xf32, #tpu.memory_space<vmem>>) target(%dma_start3A_68 : memref<4096xf32, #tpu.memory_space<vmem_shared>>) target_semaphore(%arg14 : memref<!tpu.dma_semaphore, #tpu.memory_space<semaphore_mem>>)
    %mul3A_69 = arith.constant 53248 : i32
    %mul3A_70 = arith.muli %arg1, %mul3A_69 : i32
    %add3A_71 = arith.constant 32768 : i32
    %add3A_72 = arith.addi %mul3A_70, %add3A_71 : i32
    %dma_start3A_73 = tpu.memref_slice %arg12[%add3A_72] : memref<851976xf32, #tpu.memory_space<vmem_shared>> -> memref<4096xf32, #tpu.memory_space<vmem_shared>>
    %dma_start3A_74 = tpu.memref_slice %arg12[%add3A_72] : memref<851976xf32, #tpu.memory_space<vmem_shared>> -> memref<4096xf32, #tpu.memory_space<vmem_shared>>
    tpu.enqueue_dma source(%arg11 : memref<4096xf32, #tpu.memory_space<vmem>>) target(%dma_start3A_74 : memref<4096xf32, #tpu.memory_space<vmem_shared>>) target_semaphore(%arg14 : memref<!tpu.dma_semaphore, #tpu.memory_space<semaphore_mem>>)
    %mul3A_75 = arith.constant 53248 : i32
    %mul3A_76 = arith.muli %arg1, %mul3A_75 : i32
    %add3A_77 = arith.constant 36864 : i32
    %add3A_78 = arith.addi %mul3A_76, %add3A_77 : i32
    %dma_start3A_79 = tpu.memref_slice %arg12[%add3A_78] : memref<851976xf32, #tpu.memory_space<vmem_shared>> -> memref<4096xf32, #tpu.memory_space<vmem_shared>>
    %dma_start3A_80 = tpu.memref_slice %arg12[%add3A_78] : memref<851976xf32, #tpu.memory_space<vmem_shared>> -> memref<4096xf32, #tpu.memory_space<vmem_shared>>
    tpu.enqueue_dma source(%arg11 : memref<4096xf32, #tpu.memory_space<vmem>>) target(%dma_start3A_80 : memref<4096xf32, #tpu.memory_space<vmem_shared>>) target_semaphore(%arg14 : memref<!tpu.dma_semaphore, #tpu.memory_space<semaphore_mem>>)
    %mul3A_81 = arith.constant 53248 : i32
    %mul3A_82 = arith.muli %arg1, %mul3A_81 : i32
    %add3A_83 = arith.constant 40960 : i32
    %add3A_84 = arith.addi %mul3A_82, %add3A_83 : i32
    %dma_start3A_85 = tpu.memref_slice %arg12[%add3A_84] : memref<851976xf32, #tpu.memory_space<vmem_shared>> -> memref<4096xf32, #tpu.memory_space<vmem_shared>>
    %dma_start3A_86 = tpu.memref_slice %arg12[%add3A_84] : memref<851976xf32, #tpu.memory_space<vmem_shared>> -> memref<4096xf32, #tpu.memory_space<vmem_shared>>
    tpu.enqueue_dma source(%arg11 : memref<4096xf32, #tpu.memory_space<vmem>>) target(%dma_start3A_86 : memref<4096xf32, #tpu.memory_space<vmem_shared>>) target_semaphore(%arg14 : memref<!tpu.dma_semaphore, #tpu.memory_space<semaphore_mem>>)
    %mul3A_87 = arith.constant 53248 : i32
    %mul3A_88 = arith.muli %arg1, %mul3A_87 : i32
    %add3A_89 = arith.constant 45056 : i32
    %add3A_90 = arith.addi %mul3A_88, %add3A_89 : i32
    %dma_start3A_91 = tpu.memref_slice %arg12[%add3A_90] : memref<851976xf32, #tpu.memory_space<vmem_shared>> -> memref<4096xf32, #tpu.memory_space<vmem_shared>>
    %dma_start3A_92 = tpu.memref_slice %arg12[%add3A_90] : memref<851976xf32, #tpu.memory_space<vmem_shared>> -> memref<4096xf32, #tpu.memory_space<vmem_shared>>
    tpu.enqueue_dma source(%arg11 : memref<4096xf32, #tpu.memory_space<vmem>>) target(%dma_start3A_92 : memref<4096xf32, #tpu.memory_space<vmem_shared>>) target_semaphore(%arg14 : memref<!tpu.dma_semaphore, #tpu.memory_space<semaphore_mem>>)
    %mul3A_93 = arith.constant 53248 : i32
    %mul3A_94 = arith.muli %arg1, %mul3A_93 : i32
    %add3A_95 = arith.constant 49152 : i32
    %add3A_96 = arith.addi %mul3A_94, %add3A_95 : i32
    %dma_start3A_97 = tpu.memref_slice %arg12[%add3A_96] : memref<851976xf32, #tpu.memory_space<vmem_shared>> -> memref<4096xf32, #tpu.memory_space<vmem_shared>>
    %dma_start3A_98 = tpu.memref_slice %arg12[%add3A_96] : memref<851976xf32, #tpu.memory_space<vmem_shared>> -> memref<4096xf32, #tpu.memory_space<vmem_shared>>
    tpu.enqueue_dma source(%arg11 : memref<4096xf32, #tpu.memory_space<vmem>>) target(%dma_start3A_98 : memref<4096xf32, #tpu.memory_space<vmem_shared>>) target_semaphore(%arg14 : memref<!tpu.dma_semaphore, #tpu.memory_space<semaphore_mem>>)
    %eq3A_99 = arith.constant 15 : i32
    %eq3A_100 = arith.cmpi eq, %arg1, %eq3A_99 : i32
    %convert_element_type3A_101 = arith.extui %eq3A_100 : i1 to i32
    %cond3A_102 = arith.constant 0 : i32
    %cond3A_103 = arith.cmpi ne, %convert_element_type3A_101, %cond3A_102 : i32
    scf.if %cond3A_103 {
      %dma_start3A_218 = arith.constant 0 : i32
      %dma_start3A_219 = tpu.memref_slice %arg11[%dma_start3A_218] : memref<4096xf32, #tpu.memory_space<vmem>> -> memref<8xf32, #tpu.memory_space<vmem>>
      %dma_start3A_220 = arith.constant 851968 : i32
      %dma_start3A_221 = tpu.memref_slice %arg12[%dma_start3A_220] : memref<851976xf32, #tpu.memory_space<vmem_shared>> -> memref<8xf32, #tpu.memory_space<vmem_shared>>
      %dma_start3A_222 = arith.constant 851968 : i32
      %dma_start3A_223 = tpu.memref_slice %arg12[%dma_start3A_222] : memref<851976xf32, #tpu.memory_space<vmem_shared>> -> memref<8xf32, #tpu.memory_space<vmem_shared>>
      %dma_start3A_224 = arith.constant 0 : i32
      %dma_start3A_225 = tpu.memref_slice %arg11[%dma_start3A_224] : memref<4096xf32, #tpu.memory_space<vmem>> -> memref<8xf32, #tpu.memory_space<vmem>>
      tpu.enqueue_dma source(%dma_start3A_225 : memref<8xf32, #tpu.memory_space<vmem>>) target(%dma_start3A_223 : memref<8xf32, #tpu.memory_space<vmem_shared>>) target_semaphore(%arg14 : memref<!tpu.dma_semaphore, #tpu.memory_space<semaphore_mem>>)
    } else {
    }
    %lt3A_104 = arith.constant 15 : i32
    %lt3A_105 = arith.cmpi slt, %arg1, %lt3A_104 : i32
    %convert_element_type3A_106 = arith.extui %lt3A_105 : i1 to i32
    %cond3A_107 = arith.constant 0 : i32
    %cond3A_108 = arith.cmpi ne, %convert_element_type3A_106, %cond3A_107 : i32
    scf.if %cond3A_108 {
      %mul3A_218 = arith.constant 6256 : i32
      %mul3A_219 = arith.muli %arg1, %mul3A_218 : i32
      %dma_wait3A_220 = arith.constant 0 : i32
      %dma_wait3A_221 = tpu.memref_slice %arg7[%dma_wait3A_220] : memref<12544xi32, #tpu.memory_space<vmem>> -> memref<6256xi32, #tpu.memory_space<vmem>>
      %dma_wait3A_222 = tpu.memref_slice %arg2[%mul3A_219] : memref<100000xi32, #tpu.memory_space<hbm>> -> memref<6256xi32, #tpu.memory_space<hbm>>
      %dma_wait3A_223 = arith.constant 0 : i32
      %dma_wait3A_224 = tpu.memref_slice %arg7[%dma_wait3A_223] : memref<12544xi32, #tpu.memory_space<vmem>> -> memref<6256xi32, #tpu.memory_space<vmem>>
      %dma_wait3A_225 = tpu.memref_slice %arg2[%mul3A_219] : memref<100000xi32, #tpu.memory_space<hbm>> -> memref<6256xi32, #tpu.memory_space<hbm>>
      tpu.wait_dma2 semaphore(%arg13 : memref<!tpu.dma_semaphore, #tpu.memory_space<semaphore_mem>>) src(%dma_wait3A_225 : memref<6256xi32, #tpu.memory_space<hbm>>) dst(%dma_wait3A_224 : memref<6256xi32, #tpu.memory_space<vmem>>)
      %mul3A_226 = arith.constant 6256 : i32
      %mul3A_227 = arith.muli %arg1, %mul3A_226 : i32
      %dma_wait3A_228 = arith.constant 0 : i32
      %dma_wait3A_229 = tpu.memref_slice %arg8[%dma_wait3A_228] : memref<12544xi32, #tpu.memory_space<vmem>> -> memref<6256xi32, #tpu.memory_space<vmem>>
      %dma_wait3A_230 = tpu.memref_slice %arg3[%mul3A_227] : memref<100000xi32, #tpu.memory_space<hbm>> -> memref<6256xi32, #tpu.memory_space<hbm>>
      %dma_wait3A_231 = arith.constant 0 : i32
      %dma_wait3A_232 = tpu.memref_slice %arg8[%dma_wait3A_231] : memref<12544xi32, #tpu.memory_space<vmem>> -> memref<6256xi32, #tpu.memory_space<vmem>>
      %dma_wait3A_233 = tpu.memref_slice %arg3[%mul3A_227] : memref<100000xi32, #tpu.memory_space<hbm>> -> memref<6256xi32, #tpu.memory_space<hbm>>
      tpu.wait_dma2 semaphore(%arg13 : memref<!tpu.dma_semaphore, #tpu.memory_space<semaphore_mem>>) src(%dma_wait3A_233 : memref<6256xi32, #tpu.memory_space<hbm>>) dst(%dma_wait3A_232 : memref<6256xi32, #tpu.memory_space<vmem>>)
      %mul3A_234 = arith.constant 6256 : i32
      %mul3A_235 = arith.muli %arg1, %mul3A_234 : i32
      %dma_wait3A_236 = arith.constant 6272 : i32
      %dma_wait3A_237 = tpu.memref_slice %arg7[%dma_wait3A_236] : memref<12544xi32, #tpu.memory_space<vmem>> -> memref<6256xi32, #tpu.memory_space<vmem>>
      %dma_wait3A_238 = tpu.memref_slice %arg4[%mul3A_235] : memref<100000xi32, #tpu.memory_space<hbm>> -> memref<6256xi32, #tpu.memory_space<hbm>>
      %dma_wait3A_239 = arith.constant 6272 : i32
      %dma_wait3A_240 = tpu.memref_slice %arg7[%dma_wait3A_239] : memref<12544xi32, #tpu.memory_space<vmem>> -> memref<6256xi32, #tpu.memory_space<vmem>>
      %dma_wait3A_241 = tpu.memref_slice %arg4[%mul3A_235] : memref<100000xi32, #tpu.memory_space<hbm>> -> memref<6256xi32, #tpu.memory_space<hbm>>
      tpu.wait_dma2 semaphore(%arg13 : memref<!tpu.dma_semaphore, #tpu.memory_space<semaphore_mem>>) src(%dma_wait3A_241 : memref<6256xi32, #tpu.memory_space<hbm>>) dst(%dma_wait3A_240 : memref<6256xi32, #tpu.memory_space<vmem>>)
      %mul3A_242 = arith.constant 6256 : i32
      %mul3A_243 = arith.muli %arg1, %mul3A_242 : i32
      %dma_wait3A_244 = arith.constant 6272 : i32
      %dma_wait3A_245 = tpu.memref_slice %arg8[%dma_wait3A_244] : memref<12544xi32, #tpu.memory_space<vmem>> -> memref<6256xi32, #tpu.memory_space<vmem>>
      %dma_wait3A_246 = tpu.memref_slice %arg5[%mul3A_243] : memref<100000xi32, #tpu.memory_space<hbm>> -> memref<6256xi32, #tpu.memory_space<hbm>>
      %dma_wait3A_247 = arith.constant 6272 : i32
      %dma_wait3A_248 = tpu.memref_slice %arg8[%dma_wait3A_247] : memref<12544xi32, #tpu.memory_space<vmem>> -> memref<6256xi32, #tpu.memory_space<vmem>>
      %dma_wait3A_249 = tpu.memref_slice %arg5[%mul3A_243] : memref<100000xi32, #tpu.memory_space<hbm>> -> memref<6256xi32, #tpu.memory_space<hbm>>
      tpu.wait_dma2 semaphore(%arg13 : memref<!tpu.dma_semaphore, #tpu.memory_space<semaphore_mem>>) src(%dma_wait3A_249 : memref<6256xi32, #tpu.memory_space<hbm>>) dst(%dma_wait3A_248 : memref<6256xi32, #tpu.memory_space<vmem>>)
    } else {
    }
    %eq3A_109 = arith.constant 15 : i32
    %eq3A_110 = arith.cmpi eq, %arg1, %eq3A_109 : i32
    %convert_element_type3A_111 = arith.extui %eq3A_110 : i1 to i32
    %cond3A_112 = arith.constant 0 : i32
    %cond3A_113 = arith.cmpi ne, %convert_element_type3A_111, %cond3A_112 : i32
    scf.if %cond3A_113 {
      %mul3A_218 = arith.constant 6256 : i32
      %mul3A_219 = arith.muli %arg1, %mul3A_218 : i32
      %dma_wait3A_220 = arith.constant 0 : i32
      %dma_wait3A_221 = tpu.memref_slice %arg7[%dma_wait3A_220] : memref<12544xi32, #tpu.memory_space<vmem>> -> memref<6160xi32, #tpu.memory_space<vmem>>
      %dma_wait3A_222 = tpu.memref_slice %arg2[%mul3A_219] : memref<100000xi32, #tpu.memory_space<hbm>> -> memref<6160xi32, #tpu.memory_space<hbm>>
      %dma_wait3A_223 = arith.constant 0 : i32
      %dma_wait3A_224 = tpu.memref_slice %arg7[%dma_wait3A_223] : memref<12544xi32, #tpu.memory_space<vmem>> -> memref<6160xi32, #tpu.memory_space<vmem>>
      %dma_wait3A_225 = tpu.memref_slice %arg2[%mul3A_219] : memref<100000xi32, #tpu.memory_space<hbm>> -> memref<6160xi32, #tpu.memory_space<hbm>>
      tpu.wait_dma2 semaphore(%arg13 : memref<!tpu.dma_semaphore, #tpu.memory_space<semaphore_mem>>) src(%dma_wait3A_225 : memref<6160xi32, #tpu.memory_space<hbm>>) dst(%dma_wait3A_224 : memref<6160xi32, #tpu.memory_space<vmem>>)
      %mul3A_226 = arith.constant 6256 : i32
      %mul3A_227 = arith.muli %arg1, %mul3A_226 : i32
      %dma_wait3A_228 = arith.constant 0 : i32
      %dma_wait3A_229 = tpu.memref_slice %arg8[%dma_wait3A_228] : memref<12544xi32, #tpu.memory_space<vmem>> -> memref<6160xi32, #tpu.memory_space<vmem>>
      %dma_wait3A_230 = tpu.memref_slice %arg3[%mul3A_227] : memref<100000xi32, #tpu.memory_space<hbm>> -> memref<6160xi32, #tpu.memory_space<hbm>>
      %dma_wait3A_231 = arith.constant 0 : i32
      %dma_wait3A_232 = tpu.memref_slice %arg8[%dma_wait3A_231] : memref<12544xi32, #tpu.memory_space<vmem>> -> memref<6160xi32, #tpu.memory_space<vmem>>
      %dma_wait3A_233 = tpu.memref_slice %arg3[%mul3A_227] : memref<100000xi32, #tpu.memory_space<hbm>> -> memref<6160xi32, #tpu.memory_space<hbm>>
      tpu.wait_dma2 semaphore(%arg13 : memref<!tpu.dma_semaphore, #tpu.memory_space<semaphore_mem>>) src(%dma_wait3A_233 : memref<6160xi32, #tpu.memory_space<hbm>>) dst(%dma_wait3A_232 : memref<6160xi32, #tpu.memory_space<vmem>>)
      %mul3A_234 = arith.constant 6256 : i32
      %mul3A_235 = arith.muli %arg1, %mul3A_234 : i32
      %dma_wait3A_236 = arith.constant 6272 : i32
      %dma_wait3A_237 = tpu.memref_slice %arg7[%dma_wait3A_236] : memref<12544xi32, #tpu.memory_space<vmem>> -> memref<6160xi32, #tpu.memory_space<vmem>>
      %dma_wait3A_238 = tpu.memref_slice %arg4[%mul3A_235] : memref<100000xi32, #tpu.memory_space<hbm>> -> memref<6160xi32, #tpu.memory_space<hbm>>
      %dma_wait3A_239 = arith.constant 6272 : i32
      %dma_wait3A_240 = tpu.memref_slice %arg7[%dma_wait3A_239] : memref<12544xi32, #tpu.memory_space<vmem>> -> memref<6160xi32, #tpu.memory_space<vmem>>
      %dma_wait3A_241 = tpu.memref_slice %arg4[%mul3A_235] : memref<100000xi32, #tpu.memory_space<hbm>> -> memref<6160xi32, #tpu.memory_space<hbm>>
      tpu.wait_dma2 semaphore(%arg13 : memref<!tpu.dma_semaphore, #tpu.memory_space<semaphore_mem>>) src(%dma_wait3A_241 : memref<6160xi32, #tpu.memory_space<hbm>>) dst(%dma_wait3A_240 : memref<6160xi32, #tpu.memory_space<vmem>>)
      %mul3A_242 = arith.constant 6256 : i32
      %mul3A_243 = arith.muli %arg1, %mul3A_242 : i32
      %dma_wait3A_244 = arith.constant 6272 : i32
      %dma_wait3A_245 = tpu.memref_slice %arg8[%dma_wait3A_244] : memref<12544xi32, #tpu.memory_space<vmem>> -> memref<6160xi32, #tpu.memory_space<vmem>>
      %dma_wait3A_246 = tpu.memref_slice %arg5[%mul3A_243] : memref<100000xi32, #tpu.memory_space<hbm>> -> memref<6160xi32, #tpu.memory_space<hbm>>
      %dma_wait3A_247 = arith.constant 6272 : i32
      %dma_wait3A_248 = tpu.memref_slice %arg8[%dma_wait3A_247] : memref<12544xi32, #tpu.memory_space<vmem>> -> memref<6160xi32, #tpu.memory_space<vmem>>
      %dma_wait3A_249 = tpu.memref_slice %arg5[%mul3A_243] : memref<100000xi32, #tpu.memory_space<hbm>> -> memref<6160xi32, #tpu.memory_space<hbm>>
      tpu.wait_dma2 semaphore(%arg13 : memref<!tpu.dma_semaphore, #tpu.memory_space<semaphore_mem>>) src(%dma_wait3A_249 : memref<6160xi32, #tpu.memory_space<hbm>>) dst(%dma_wait3A_248 : memref<6160xi32, #tpu.memory_space<vmem>>)
    } else {
    }
    %mul3A_114 = arith.constant 1024 : i32
    %mul3A_115 = arith.muli %arg0, %mul3A_114 : i32
    %scan3A_116 = arith.constant 0 : i32
    %scan3A_117 = arith.constant 0 : i32
    %scan3A_118 = arith.constant 392 : i32
    %scan3A_119 = arith.addi %scan3A_117, %scan3A_118 : i32
    %scan3A_120 = arith.constant 1 : i32
    scf.for %scan3A_218 = %scan3A_117 to %scan3A_119 step %scan3A_120  : i32 {
      %mul3A_219 = arith.constant 16 : i32
      %mul3A_220 = arith.muli %scan3A_218, %mul3A_219 : i32
      %get3A = arith.index_cast %mul3A_220 : i32 to index
      %get3A_221 = tpu.vector_load %arg7[%get3A] {strides = array<i32>} : memref<12544xi32, #tpu.memory_space<vmem>>, vector<16xi32>,
      %get3A_222 = vector.shape_cast %get3A_221 : vector<16xi32> to vector<16xi32>
      %mul3A_223 = arith.constant 16 : i32
      %mul3A_224 = arith.muli %scan3A_218, %mul3A_223 : i32
      %get3A_225 = arith.index_cast %mul3A_224 : i32 to index
      %get3A_226 = tpu.vector_load %arg8[%get3A_225] {strides = array<i32>} : memref<12544xi32, #tpu.memory_space<vmem>>, vector<16xi32>,
      %get3A_227 = vector.shape_cast %get3A_226 : vector<16xi32> to vector<16xi32>
      %ge3A = vector.broadcast %mul3A_115 : i32 to vector<16xi32>
      %ge3A_228 = arith.cmpi sge, %get3A_222, %ge3A : vector<16xi32>
      %add3A_229 = arith.constant 1024 : i32
      %add3A_230 = arith.addi %mul3A_115, %add3A_229 : i32
      %lt3A_231 = vector.broadcast %add3A_230 : i32 to vector<16xi32>
      %lt3A_232 = arith.cmpi slt, %get3A_222, %lt3A_231 : vector<16xi32>
      %and3A = arith.andi %ge3A_228, %lt3A_232 : vector<16xi1>
      %sub3A = vector.broadcast %mul3A_115 : i32 to vector<16xi32>
      %sub3A_233 = arith.subi %get3A_222, %sub3A : vector<16xi32>
      %mul3A_234 = arith.constant 832 : i32
      %mul3A_235 = vector.broadcast %mul3A_234 : i32 to vector<16xi32>
      %mul3A_236 = arith.muli %sub3A_233, %mul3A_235 : vector<16xi32>
      %add3A_237 = arith.addi %mul3A_236, %get3A_227 : vector<16xi32>
      %jit3A = arith.constant 851968 : i32
      %broadcast_in_dim3A_238 = vector.broadcast %jit3A : i32 to vector<16xi32>
      %select_n3A = arith.select %and3A, %add3A_237, %broadcast_in_dim3A_238 : vector<16xi1>, vector<16xi32>
      %mul3A_239 = arith.constant 16 : i32
      %mul3A_240 = arith.muli %scan3A_218, %mul3A_239 : i32
      %swap3A = arith.index_cast %mul3A_240 : i32 to index
      %swap3A_241 = tpu.vector_load %arg9[%swap3A] {strides = array<i32>} : memref<12544xi32, #tpu.memory_space<vmem>>, vector<16xi32>,
      %swap3A_242 = vector.shape_cast %swap3A_241 : vector<16xi32> to vector<16xi32>
      %swap3A_243 = vector.shape_cast %select_n3A : vector<16xi32> to vector<16xi32>
      tpu.vector_store %arg9[%swap3A], %swap3A_243 {strides = array<i32>} : memref<12544xi32, #tpu.memory_space<vmem>>, vector<16xi32>,
      %jit3A_244 = arith.constant 1.000000e+00 : f32
      %jit3A_245 = arith.constant 0.000000e+00 : f32
      %broadcast_in_dim3A_246 = vector.broadcast %jit3A_244 : f32 to vector<16xf32>
      %broadcast_in_dim3A_247 = vector.broadcast %jit3A_245 : f32 to vector<16xf32>
      %select_n3A_248 = arith.select %and3A, %broadcast_in_dim3A_246, %broadcast_in_dim3A_247 : vector<16xi1>, vector<16xf32>
      %mul3A_249 = arith.constant 16 : i32
      %mul3A_250 = arith.muli %scan3A_218, %mul3A_249 : i32
      %swap3A_251 = arith.index_cast %mul3A_250 : i32 to index
      %swap3A_252 = tpu.vector_load %arg10[%swap3A_251] {strides = array<i32>} : memref<12544xf32, #tpu.memory_space<vmem>>, vector<16xf32>,
      %swap3A_253 = vector.shape_cast %swap3A_252 : vector<16xf32> to vector<16xf32>
      %swap3A_254 = vector.shape_cast %select_n3A_248 : vector<16xf32> to vector<16xf32>
      tpu.vector_store %arg10[%swap3A_251], %swap3A_254 {strides = array<i32>} : memref<12544xf32, #tpu.memory_space<vmem>>, vector<16xf32>,
    }
    %scan3A_121 = arith.constant 392 : i32
    %scan3A_122 = arith.constant 0 : i32
    %scan3A_123 = arith.constant 392 : i32
    %scan3A_124 = arith.constant 392 : i32
    %scan3A_125 = arith.addi %scan3A_123, %scan3A_124 : i32
    %scan3A_126 = arith.constant 1 : i32
    scf.for %scan3A_218 = %scan3A_123 to %scan3A_125 step %scan3A_126  : i32 {
      %mul3A_219 = arith.constant 16 : i32
      %mul3A_220 = arith.muli %scan3A_218, %mul3A_219 : i32
      %get3A = arith.index_cast %mul3A_220 : i32 to index
      %get3A_221 = tpu.vector_load %arg7[%get3A] {strides = array<i32>} : memref<12544xi32, #tpu.memory_space<vmem>>, vector<16xi32>,
      %get3A_222 = vector.shape_cast %get3A_221 : vector<16xi32> to vector<16xi32>
      %mul3A_223 = arith.constant 16 : i32
      %mul3A_224 = arith.muli %scan3A_218, %mul3A_223 : i32
      %get3A_225 = arith.index_cast %mul3A_224 : i32 to index
      %get3A_226 = tpu.vector_load %arg8[%get3A_225] {strides = array<i32>} : memref<12544xi32, #tpu.memory_space<vmem>>, vector<16xi32>,
      %get3A_227 = vector.shape_cast %get3A_226 : vector<16xi32> to vector<16xi32>
      %ge3A = vector.broadcast %mul3A_115 : i32 to vector<16xi32>
      %ge3A_228 = arith.cmpi sge, %get3A_222, %ge3A : vector<16xi32>
      %add3A_229 = arith.constant 1024 : i32
      %add3A_230 = arith.addi %mul3A_115, %add3A_229 : i32
      %lt3A_231 = vector.broadcast %add3A_230 : i32 to vector<16xi32>
      %lt3A_232 = arith.cmpi slt, %get3A_222, %lt3A_231 : vector<16xi32>
      %and3A = arith.andi %ge3A_228, %lt3A_232 : vector<16xi1>
      %sub3A = vector.broadcast %mul3A_115 : i32 to vector<16xi32>
      %sub3A_233 = arith.subi %get3A_222, %sub3A : vector<16xi32>
      %mul3A_234 = arith.constant 832 : i32
      %mul3A_235 = vector.broadcast %mul3A_234 : i32 to vector<16xi32>
      %mul3A_236 = arith.muli %sub3A_233, %mul3A_235 : vector<16xi32>
      %add3A_237 = arith.addi %mul3A_236, %get3A_227 : vector<16xi32>
      %jit3A = arith.constant 851968 : i32
      %broadcast_in_dim3A_238 = vector.broadcast %jit3A : i32 to vector<16xi32>
      %select_n3A = arith.select %and3A, %add3A_237, %broadcast_in_dim3A_238 : vector<16xi1>, vector<16xi32>
      %mul3A_239 = arith.constant 16 : i32
      %mul3A_240 = arith.muli %scan3A_218, %mul3A_239 : i32
      %swap3A = arith.index_cast %mul3A_240 : i32 to index
      %swap3A_241 = tpu.vector_load %arg9[%swap3A] {strides = array<i32>} : memref<12544xi32, #tpu.memory_space<vmem>>, vector<16xi32>,
      %swap3A_242 = vector.shape_cast %swap3A_241 : vector<16xi32> to vector<16xi32>
      %swap3A_243 = vector.shape_cast %select_n3A : vector<16xi32> to vector<16xi32>
      tpu.vector_store %arg9[%swap3A], %swap3A_243 {strides = array<i32>} : memref<12544xi32, #tpu.memory_space<vmem>>, vector<16xi32>,
      %jit3A_244 = arith.constant -1.000000e+00 : f32
      %jit3A_245 = arith.constant 0.000000e+00 : f32
      %broadcast_in_dim3A_246 = vector.broadcast %jit3A_244 : f32 to vector<16xf32>
      %broadcast_in_dim3A_247 = vector.broadcast %jit3A_245 : f32 to vector<16xf32>
      %select_n3A_248 = arith.select %and3A, %broadcast_in_dim3A_246, %broadcast_in_dim3A_247 : vector<16xi1>, vector<16xf32>
      %mul3A_249 = arith.constant 16 : i32
      %mul3A_250 = arith.muli %scan3A_218, %mul3A_249 : i32
      %swap3A_251 = arith.index_cast %mul3A_250 : i32 to index
      %swap3A_252 = tpu.vector_load %arg10[%swap3A_251] {strides = array<i32>} : memref<12544xf32, #tpu.memory_space<vmem>>, vector<16xf32>,
      %swap3A_253 = vector.shape_cast %swap3A_252 : vector<16xf32> to vector<16xf32>
      %swap3A_254 = vector.shape_cast %select_n3A_248 : vector<16xf32> to vector<16xf32>
      tpu.vector_store %arg10[%swap3A_251], %swap3A_254 {strides = array<i32>} : memref<12544xf32, #tpu.memory_space<vmem>>, vector<16xf32>,
    }
    %scan3A_127 = arith.constant 392 : i32
    %mul3A_128 = arith.constant 53248 : i32
    %mul3A_129 = arith.muli %arg1, %mul3A_128 : i32
    %add3A_130 = arith.constant 0 : i32
    %add3A_131 = arith.addi %mul3A_129, %add3A_130 : i32
    %dma_wait3A = tpu.memref_slice %arg12[%add3A_131] : memref<851976xf32, #tpu.memory_space<vmem_shared>> -> memref<4096xf32, #tpu.memory_space<vmem_shared>>
    %dma_wait3A_132 = tpu.memref_slice %arg12[%add3A_131] : memref<851976xf32, #tpu.memory_space<vmem_shared>> -> memref<4096xf32, #tpu.memory_space<vmem_shared>>
    tpu.wait_dma2 semaphore(%arg14 : memref<!tpu.dma_semaphore, #tpu.memory_space<semaphore_mem>>) src(%arg11 : memref<4096xf32, #tpu.memory_space<vmem>>) dst(%dma_wait3A_132 : memref<4096xf32, #tpu.memory_space<vmem_shared>>)
    %mul3A_133 = arith.constant 53248 : i32
    %mul3A_134 = arith.muli %arg1, %mul3A_133 : i32
    %add3A_135 = arith.constant 4096 : i32
    %add3A_136 = arith.addi %mul3A_134, %add3A_135 : i32
    %dma_wait3A_137 = tpu.memref_slice %arg12[%add3A_136] : memref<851976xf32, #tpu.memory_space<vmem_shared>> -> memref<4096xf32, #tpu.memory_space<vmem_shared>>
    %dma_wait3A_138 = tpu.memref_slice %arg12[%add3A_136] : memref<851976xf32, #tpu.memory_space<vmem_shared>> -> memref<4096xf32, #tpu.memory_space<vmem_shared>>
    tpu.wait_dma2 semaphore(%arg14 : memref<!tpu.dma_semaphore, #tpu.memory_space<semaphore_mem>>) src(%arg11 : memref<4096xf32, #tpu.memory_space<vmem>>) dst(%dma_wait3A_138 : memref<4096xf32, #tpu.memory_space<vmem_shared>>)
    %mul3A_139 = arith.constant 53248 : i32
    %mul3A_140 = arith.muli %arg1, %mul3A_139 : i32
    %add3A_141 = arith.constant 8192 : i32
    %add3A_142 = arith.addi %mul3A_140, %add3A_141 : i32
    %dma_wait3A_143 = tpu.memref_slice %arg12[%add3A_142] : memref<851976xf32, #tpu.memory_space<vmem_shared>> -> memref<4096xf32, #tpu.memory_space<vmem_shared>>
    %dma_wait3A_144 = tpu.memref_slice %arg12[%add3A_142] : memref<851976xf32, #tpu.memory_space<vmem_shared>> -> memref<4096xf32, #tpu.memory_space<vmem_shared>>
    tpu.wait_dma2 semaphore(%arg14 : memref<!tpu.dma_semaphore, #tpu.memory_space<semaphore_mem>>) src(%arg11 : memref<4096xf32, #tpu.memory_space<vmem>>) dst(%dma_wait3A_144 : memref<4096xf32, #tpu.memory_space<vmem_shared>>)
    %mul3A_145 = arith.constant 53248 : i32
    %mul3A_146 = arith.muli %arg1, %mul3A_145 : i32
    %add3A_147 = arith.constant 12288 : i32
    %add3A_148 = arith.addi %mul3A_146, %add3A_147 : i32
    %dma_wait3A_149 = tpu.memref_slice %arg12[%add3A_148] : memref<851976xf32, #tpu.memory_space<vmem_shared>> -> memref<4096xf32, #tpu.memory_space<vmem_shared>>
    %dma_wait3A_150 = tpu.memref_slice %arg12[%add3A_148] : memref<851976xf32, #tpu.memory_space<vmem_shared>> -> memref<4096xf32, #tpu.memory_space<vmem_shared>>
    tpu.wait_dma2 semaphore(%arg14 : memref<!tpu.dma_semaphore, #tpu.memory_space<semaphore_mem>>) src(%arg11 : memref<4096xf32, #tpu.memory_space<vmem>>) dst(%dma_wait3A_150 : memref<4096xf32, #tpu.memory_space<vmem_shared>>)
    %mul3A_151 = arith.constant 53248 : i32
    %mul3A_152 = arith.muli %arg1, %mul3A_151 : i32
    %add3A_153 = arith.constant 16384 : i32
    %add3A_154 = arith.addi %mul3A_152, %add3A_153 : i32
    %dma_wait3A_155 = tpu.memref_slice %arg12[%add3A_154] : memref<851976xf32, #tpu.memory_space<vmem_shared>> -> memref<4096xf32, #tpu.memory_space<vmem_shared>>
    %dma_wait3A_156 = tpu.memref_slice %arg12[%add3A_154] : memref<851976xf32, #tpu.memory_space<vmem_shared>> -> memref<4096xf32, #tpu.memory_space<vmem_shared>>
    tpu.wait_dma2 semaphore(%arg14 : memref<!tpu.dma_semaphore, #tpu.memory_space<semaphore_mem>>) src(%arg11 : memref<4096xf32, #tpu.memory_space<vmem>>) dst(%dma_wait3A_156 : memref<4096xf32, #tpu.memory_space<vmem_shared>>)
    %mul3A_157 = arith.constant 53248 : i32
    %mul3A_158 = arith.muli %arg1, %mul3A_157 : i32
    %add3A_159 = arith.constant 20480 : i32
    %add3A_160 = arith.addi %mul3A_158, %add3A_159 : i32
    %dma_wait3A_161 = tpu.memref_slice %arg12[%add3A_160] : memref<851976xf32, #tpu.memory_space<vmem_shared>> -> memref<4096xf32, #tpu.memory_space<vmem_shared>>
    %dma_wait3A_162 = tpu.memref_slice %arg12[%add3A_160] : memref<851976xf32, #tpu.memory_space<vmem_shared>> -> memref<4096xf32, #tpu.memory_space<vmem_shared>>
    tpu.wait_dma2 semaphore(%arg14 : memref<!tpu.dma_semaphore, #tpu.memory_space<semaphore_mem>>) src(%arg11 : memref<4096xf32, #tpu.memory_space<vmem>>) dst(%dma_wait3A_162 : memref<4096xf32, #tpu.memory_space<vmem_shared>>)
    %mul3A_163 = arith.constant 53248 : i32
    %mul3A_164 = arith.muli %arg1, %mul3A_163 : i32
    %add3A_165 = arith.constant 24576 : i32
    %add3A_166 = arith.addi %mul3A_164, %add3A_165 : i32
    %dma_wait3A_167 = tpu.memref_slice %arg12[%add3A_166] : memref<851976xf32, #tpu.memory_space<vmem_shared>> -> memref<4096xf32, #tpu.memory_space<vmem_shared>>
    %dma_wait3A_168 = tpu.memref_slice %arg12[%add3A_166] : memref<851976xf32, #tpu.memory_space<vmem_shared>> -> memref<4096xf32, #tpu.memory_space<vmem_shared>>
    tpu.wait_dma2 semaphore(%arg14 : memref<!tpu.dma_semaphore, #tpu.memory_space<semaphore_mem>>) src(%arg11 : memref<4096xf32, #tpu.memory_space<vmem>>) dst(%dma_wait3A_168 : memref<4096xf32, #tpu.memory_space<vmem_shared>>)
    %mul3A_169 = arith.constant 53248 : i32
    %mul3A_170 = arith.muli %arg1, %mul3A_169 : i32
    %add3A_171 = arith.constant 28672 : i32
    %add3A_172 = arith.addi %mul3A_170, %add3A_171 : i32
    %dma_wait3A_173 = tpu.memref_slice %arg12[%add3A_172] : memref<851976xf32, #tpu.memory_space<vmem_shared>> -> memref<4096xf32, #tpu.memory_space<vmem_shared>>
    %dma_wait3A_174 = tpu.memref_slice %arg12[%add3A_172] : memref<851976xf32, #tpu.memory_space<vmem_shared>> -> memref<4096xf32, #tpu.memory_space<vmem_shared>>
    tpu.wait_dma2 semaphore(%arg14 : memref<!tpu.dma_semaphore, #tpu.memory_space<semaphore_mem>>) src(%arg11 : memref<4096xf32, #tpu.memory_space<vmem>>) dst(%dma_wait3A_174 : memref<4096xf32, #tpu.memory_space<vmem_shared>>)
    %mul3A_175 = arith.constant 53248 : i32
    %mul3A_176 = arith.muli %arg1, %mul3A_175 : i32
    %add3A_177 = arith.constant 32768 : i32
    %add3A_178 = arith.addi %mul3A_176, %add3A_177 : i32
    %dma_wait3A_179 = tpu.memref_slice %arg12[%add3A_178] : memref<851976xf32, #tpu.memory_space<vmem_shared>> -> memref<4096xf32, #tpu.memory_space<vmem_shared>>
    %dma_wait3A_180 = tpu.memref_slice %arg12[%add3A_178] : memref<851976xf32, #tpu.memory_space<vmem_shared>> -> memref<4096xf32, #tpu.memory_space<vmem_shared>>
    tpu.wait_dma2 semaphore(%arg14 : memref<!tpu.dma_semaphore, #tpu.memory_space<semaphore_mem>>) src(%arg11 : memref<4096xf32, #tpu.memory_space<vmem>>) dst(%dma_wait3A_180 : memref<4096xf32, #tpu.memory_space<vmem_shared>>)
    %mul3A_181 = arith.constant 53248 : i32
    %mul3A_182 = arith.muli %arg1, %mul3A_181 : i32
    %add3A_183 = arith.constant 36864 : i32
    %add3A_184 = arith.addi %mul3A_182, %add3A_183 : i32
    %dma_wait3A_185 = tpu.memref_slice %arg12[%add3A_184] : memref<851976xf32, #tpu.memory_space<vmem_shared>> -> memref<4096xf32, #tpu.memory_space<vmem_shared>>
    %dma_wait3A_186 = tpu.memref_slice %arg12[%add3A_184] : memref<851976xf32, #tpu.memory_space<vmem_shared>> -> memref<4096xf32, #tpu.memory_space<vmem_shared>>
    tpu.wait_dma2 semaphore(%arg14 : memref<!tpu.dma_semaphore, #tpu.memory_space<semaphore_mem>>) src(%arg11 : memref<4096xf32, #tpu.memory_space<vmem>>) dst(%dma_wait3A_186 : memref<4096xf32, #tpu.memory_space<vmem_shared>>)
    %mul3A_187 = arith.constant 53248 : i32
    %mul3A_188 = arith.muli %arg1, %mul3A_187 : i32
    %add3A_189 = arith.constant 40960 : i32
    %add3A_190 = arith.addi %mul3A_188, %add3A_189 : i32
    %dma_wait3A_191 = tpu.memref_slice %arg12[%add3A_190] : memref<851976xf32, #tpu.memory_space<vmem_shared>> -> memref<4096xf32, #tpu.memory_space<vmem_shared>>
    %dma_wait3A_192 = tpu.memref_slice %arg12[%add3A_190] : memref<851976xf32, #tpu.memory_space<vmem_shared>> -> memref<4096xf32, #tpu.memory_space<vmem_shared>>
    tpu.wait_dma2 semaphore(%arg14 : memref<!tpu.dma_semaphore, #tpu.memory_space<semaphore_mem>>) src(%arg11 : memref<4096xf32, #tpu.memory_space<vmem>>) dst(%dma_wait3A_192 : memref<4096xf32, #tpu.memory_space<vmem_shared>>)
    %mul3A_193 = arith.constant 53248 : i32
    %mul3A_194 = arith.muli %arg1, %mul3A_193 : i32
    %add3A_195 = arith.constant 45056 : i32
    %add3A_196 = arith.addi %mul3A_194, %add3A_195 : i32
    %dma_wait3A_197 = tpu.memref_slice %arg12[%add3A_196] : memref<851976xf32, #tpu.memory_space<vmem_shared>> -> memref<4096xf32, #tpu.memory_space<vmem_shared>>
    %dma_wait3A_198 = tpu.memref_slice %arg12[%add3A_196] : memref<851976xf32, #tpu.memory_space<vmem_shared>> -> memref<4096xf32, #tpu.memory_space<vmem_shared>>
    tpu.wait_dma2 semaphore(%arg14 : memref<!tpu.dma_semaphore, #tpu.memory_space<semaphore_mem>>) src(%arg11 : memref<4096xf32, #tpu.memory_space<vmem>>) dst(%dma_wait3A_198 : memref<4096xf32, #tpu.memory_space<vmem_shared>>)
    %mul3A_199 = arith.constant 53248 : i32
    %mul3A_200 = arith.muli %arg1, %mul3A_199 : i32
    %add3A_201 = arith.constant 49152 : i32
    %add3A_202 = arith.addi %mul3A_200, %add3A_201 : i32
    %dma_wait3A_203 = tpu.memref_slice %arg12[%add3A_202] : memref<851976xf32, #tpu.memory_space<vmem_shared>> -> memref<4096xf32, #tpu.memory_space<vmem_shared>>
    %dma_wait3A_204 = tpu.memref_slice %arg12[%add3A_202] : memref<851976xf32, #tpu.memory_space<vmem_shared>> -> memref<4096xf32, #tpu.memory_space<vmem_shared>>
    tpu.wait_dma2 semaphore(%arg14 : memref<!tpu.dma_semaphore, #tpu.memory_space<semaphore_mem>>) src(%arg11 : memref<4096xf32, #tpu.memory_space<vmem>>) dst(%dma_wait3A_204 : memref<4096xf32, #tpu.memory_space<vmem_shared>>)
    %eq3A_205 = arith.constant 15 : i32
    %eq3A_206 = arith.cmpi eq, %arg1, %eq3A_205 : i32
    %convert_element_type3A_207 = arith.extui %eq3A_206 : i1 to i32
    %cond3A_208 = arith.constant 0 : i32
    %cond3A_209 = arith.cmpi ne, %convert_element_type3A_207, %cond3A_208 : i32
    scf.if %cond3A_209 {
      %dma_wait3A_218 = arith.constant 0 : i32
      %dma_wait3A_219 = tpu.memref_slice %arg11[%dma_wait3A_218] : memref<4096xf32, #tpu.memory_space<vmem>> -> memref<8xf32, #tpu.memory_space<vmem>>
      %dma_wait3A_220 = arith.constant 851968 : i32
      %dma_wait3A_221 = tpu.memref_slice %arg12[%dma_wait3A_220] : memref<851976xf32, #tpu.memory_space<vmem_shared>> -> memref<8xf32, #tpu.memory_space<vmem_shared>>
      %dma_wait3A_222 = arith.constant 851968 : i32
      %dma_wait3A_223 = tpu.memref_slice %arg12[%dma_wait3A_222] : memref<851976xf32, #tpu.memory_space<vmem_shared>> -> memref<8xf32, #tpu.memory_space<vmem_shared>>
      %dma_wait3A_224 = arith.constant 0 : i32
      %dma_wait3A_225 = tpu.memref_slice %arg11[%dma_wait3A_224] : memref<4096xf32, #tpu.memory_space<vmem>> -> memref<8xf32, #tpu.memory_space<vmem>>
      tpu.wait_dma2 semaphore(%arg14 : memref<!tpu.dma_semaphore, #tpu.memory_space<semaphore_mem>>) src(%dma_wait3A_225 : memref<8xf32, #tpu.memory_space<vmem>>) dst(%dma_wait3A_223 : memref<8xf32, #tpu.memory_space<vmem_shared>>)
    } else {
    }
    %barrier3A = arith.constant 0 : index
    tpu.barrier barrier_id(%barrier3A)
    "tpu.region"() ({
      %run_scoped3A = tpu.sem_alloc : memref<!tpu.dma_semaphore, #tpu.memory_space<semaphore_mem>>
      %dma_start3A_218 = arith.constant 0 : i32
      %dma_start3A_219 = tpu.memref_slice %arg12[%dma_start3A_218] : memref<851976xf32, #tpu.memory_space<vmem_shared>> -> memref<851976xf32, #tpu.memory_space<vmem_shared>>
      tpu.enqueue_indirect_dma source(%arg10 : memref<12544xf32, #tpu.memory_space<vmem>>) target(%dma_start3A_219 : memref<851976xf32, #tpu.memory_space<vmem_shared>>) offsets(%arg9 : memref<12544xi32, #tpu.memory_space<vmem>>) semaphore(%run_scoped3A : memref<!tpu.dma_semaphore, #tpu.memory_space<semaphore_mem>>) {add = true}
      %dma_wait3A_220 = arith.constant 0 : i32
      %dma_wait3A_221 = tpu.memref_slice %arg12[%dma_wait3A_220] : memref<851976xf32, #tpu.memory_space<vmem_shared>> -> memref<851976xf32, #tpu.memory_space<vmem_shared>>
      tpu.wait_indirect_dma semaphore(%run_scoped3A : memref<!tpu.dma_semaphore, #tpu.memory_space<semaphore_mem>>) src(%arg10 : memref<12544xf32, #tpu.memory_space<vmem>>) dst(%dma_wait3A_221 : memref<851976xf32, #tpu.memory_space<vmem_shared>>)
      tpu.yield
    }) : () -> ()
    %barrier3A_210 = arith.constant 0 : index
    tpu.barrier barrier_id(%barrier3A_210)
    %mul3A_211 = arith.constant 53248 : i32
    %mul3A_212 = arith.muli %arg1, %mul3A_211 : i32
    %mul3A_213 = arith.constant 851968 : i32
    %mul3A_214 = arith.muli %arg0, %mul3A_213 : i32
    %mul3A_215 = arith.constant 53248 : i32
    %mul3A_216 = arith.muli %arg1, %mul3A_215 : i32
    %add3A_217 = arith.addi %mul3A_214, %mul3A_216 : i32
    "tpu.region"() ({
      %run_scoped3A = tpu.sem_alloc : memref<!tpu.dma_semaphore, #tpu.memory_space<semaphore_mem>>
      %dma_start3A_218 = tpu.memref_slice %arg6[%add3A_217] : memref<1703936xf32, #tpu.memory_space<hbm>> -> memref<53248xf32, #tpu.memory_space<hbm>>
      %dma_start3A_219 = tpu.memref_slice %arg12[%mul3A_212] : memref<851976xf32, #tpu.memory_space<vmem_shared>> -> memref<53248xf32, #tpu.memory_space<vmem_shared>>
      tpu.enqueue_dma source(%dma_start3A_219 : memref<53248xf32, #tpu.memory_space<vmem_shared>>) target(%dma_start3A_218 : memref<53248xf32, #tpu.memory_space<hbm>>) target_semaphore(%run_scoped3A : memref<!tpu.dma_semaphore, #tpu.memory_space<semaphore_mem>>)
      %dma_wait3A_220 = tpu.memref_slice %arg6[%add3A_217] : memref<1703936xf32, #tpu.memory_space<hbm>> -> memref<53248xf32, #tpu.memory_space<hbm>>
      %dma_wait3A_221 = tpu.memref_slice %arg12[%mul3A_212] : memref<851976xf32, #tpu.memory_space<vmem_shared>> -> memref<53248xf32, #tpu.memory_space<vmem_shared>>
      tpu.wait_dma2 semaphore(%run_scoped3A : memref<!tpu.dma_semaphore, #tpu.memory_space<semaphore_mem>>) src(%dma_wait3A_221 : memref<53248xf32, #tpu.memory_space<vmem_shared>>) dst(%dma_wait3A_220 : memref<53248xf32, #tpu.memory_space<hbm>>)
      tpu.yield
    }) : () -> ()
    return
  }
}

module attributes {stable_mosaic.version = 14 : i64} {
  func.func @body(%arg0: i32, %arg1: memref<256x832xf32, #tpu.memory_space<vmem>>, %arg2: memref<832x128xf32, #tpu.memory_space<vmem>>, %arg3: memref<128x800xf32, #tpu.memory_space<vmem>>, %arg4: memref<1x800xf32, #tpu.memory_space<vmem>>, %arg5: memref<1x1x256xi32, #tpu.memory_space<vmem>>, %arg6: memref<256x800xf32, #tpu.memory_space<vmem>>, %arg7: memref<1x1xf32, #tpu.memory_space<vmem>>) attributes {dimension_semantics = [#tpu.dimension_semantics<arbitrary>], iteration_bounds = array<i64: 8>, scalar_prefetch = 0 : i64, scratch_operands = 0 : i64, tpu.core_type = #tpu.core_type<tc>, window_params = [{transform_indices = @transform_0, window_bounds = array<i64: 256, 832>}, {pipeline_mode = #tpu.pipeline_mode<synchronous>, transform_indices = @transform_1, window_bounds = array<i64: 832, 128>}, {pipeline_mode = #tpu.pipeline_mode<synchronous>, transform_indices = @transform_2, window_bounds = array<i64: 128, 800>}, {pipeline_mode = #tpu.pipeline_mode<synchronous>, transform_indices = @transform_3, window_bounds = array<i64: 1, 800>}, {transform_indices = @transform_4, window_bounds = array<i64: 1, 1, 256>}, {transform_indices = @transform_5, window_bounds = array<i64: 256, 800>}, {pipeline_mode = #tpu.pipeline_mode<synchronous>, transform_indices = @transform_6, window_bounds = array<i64: 1, 1>}]} {
    %get3A = arith.constant 0 : index
    %get3A_0 = arith.constant 0 : index
    %get3A_1 = vector.load %arg1[%get3A, %get3A_0] : memref<256x832xf32, #tpu.memory_space<vmem>>, vector<256x832xf32>
    %get3A_2 = arith.constant 0 : index
    %get3A_3 = arith.constant 0 : index
    %get3A_4 = vector.load %arg2[%get3A_2, %get3A_3] : memref<832x128xf32, #tpu.memory_space<vmem>>, vector<832x128xf32>
    %dot_general3A = arith.constant dense<0.000000e+00> : vector<256x128xf32>
    %dot_general3A_5 = tpu.matmul %get3A_1, %get3A_4, %dot_general3A {dimension_numbers = #tpu.dot_dimension_numbers<[1], [0], [0], [1], [0, 0, 1, 1], [], []>, transpose_lhs_hint = false} : vector<256x832xf32>, vector<832x128xf32>, vector<256x128xf32> -> vector<256x128xf32>
    %get3A_6 = arith.constant 0 : index
    %get3A_7 = arith.constant 0 : index
    %get3A_8 = vector.load %arg3[%get3A_6, %get3A_7] : memref<128x800xf32, #tpu.memory_space<vmem>>, vector<128x800xf32>
    %dot_general3A_9 = arith.constant dense<0.000000e+00> : vector<256x800xf32>
    %dot_general3A_10 = tpu.matmul %dot_general3A_5, %get3A_8, %dot_general3A_9 {dimension_numbers = #tpu.dot_dimension_numbers<[1], [0], [0], [1], [0, 0, 1, 1], [], []>, transpose_lhs_hint = false} : vector<256x128xf32>, vector<128x800xf32>, vector<256x800xf32> -> vector<256x800xf32>
    %get3A_11 = arith.constant 0 : index
    %get3A_12 = arith.constant 0 : index
    %get3A_13 = vector.load %arg4[%get3A_11, %get3A_12] : memref<1x800xf32, #tpu.memory_space<vmem>>, vector<1x800xf32>
    %add3A = vector.broadcast %get3A_13 : vector<1x800xf32> to vector<256x800xf32>
    %add3A_14 = arith.addf %dot_general3A_10, %add3A : vector<256x800xf32>
    %swap3A = arith.constant 0 : index
    %swap3A_15 = arith.constant 0 : index
    %swap3A_16 = vector.load %arg6[%swap3A, %swap3A_15] : memref<256x800xf32, #tpu.memory_space<vmem>>, vector<256x800xf32>
    tpu.vector_store %arg6[%swap3A, %swap3A_15], %add3A_14 {strides = array<i32>} : memref<256x800xf32, #tpu.memory_space<vmem>>, vector<256x800xf32>,
    %reduce_max3A = arith.constant dense<0xFF800000> : vector<256xf32>
    %reduce_max3A_17 = vector.multi_reduction <maximumf>, %add3A_14, %reduce_max3A [1] : vector<256x800xf32> to vector<256xf32>
    %broadcast_in_dim3A = vector.shape_cast %reduce_max3A_17 : vector<256xf32> to vector<256x1xf32>
    %sub3A = vector.broadcast %broadcast_in_dim3A : vector<256x1xf32> to vector<256x800xf32>
    %sub3A_18 = arith.subf %add3A_14, %sub3A : vector<256x800xf32>
    %exp3A = math.exp %sub3A_18 : vector<256x800xf32>
    %reduce_sum3A = arith.constant dense<0.000000e+00> : vector<256xf32>
    %reduce_sum3A_19 = vector.multi_reduction <add>, %exp3A, %reduce_sum3A [1] : vector<256x800xf32> to vector<256xf32>
    %broadcast_in_dim3A_20 = vector.shape_cast %reduce_sum3A_19 : vector<256xf32> to vector<256x1xf32>
    %log3A = math.log %broadcast_in_dim3A_20 : vector<256x1xf32>
    %add3A_21 = arith.addf %log3A, %broadcast_in_dim3A : vector<256x1xf32>
    %get3A_22 = arith.constant 0 : index
    %get3A_23 = arith.constant 0 : index
    %get3A_24 = arith.constant 0 : index
    %get3A_25 = vector.load %arg5[%get3A_22, %get3A_23, %get3A_24] : memref<1x1x256xi32, #tpu.memory_space<vmem>>, vector<1x1x256xi32>
    %get3A_26 = vector.shape_cast %get3A_25 : vector<1x1x256xi32> to vector<256xi32>
    %iota3A = tpu.iota {dimensions = array<i32: 1>} : vector<256x800xi32>
    %broadcast_in_dim3A_27 = vector.shape_cast %get3A_26 : vector<256xi32> to vector<256x1xi32>
    %eq3A = vector.broadcast %broadcast_in_dim3A_27 : vector<256x1xi32> to vector<256x800xi32>
    %eq3A_28 = arith.cmpi eq, %iota3A, %eq3A : vector<256x800xi32>
    %jit3A = arith.constant 0.000000e+00 : f32
    %broadcast_in_dim3A_29 = vector.broadcast %jit3A : f32 to vector<256x800xf32>
    %select_n3A = arith.select %eq3A_28, %add3A_14, %broadcast_in_dim3A_29 : vector<256x800xi1>, vector<256x800xf32>
    %reduce_sum3A_30 = arith.constant dense<0.000000e+00> : vector<256xf32>
    %reduce_sum3A_31 = vector.multi_reduction <add>, %select_n3A, %reduce_sum3A_30 [1] : vector<256x800xf32> to vector<256xf32>
    %broadcast_in_dim3A_32 = vector.shape_cast %reduce_sum3A_31 : vector<256xf32> to vector<256x1xf32>
    %sub3A_33 = arith.subf %add3A_21, %broadcast_in_dim3A_32 : vector<256x1xf32>
    %reduce_sum3A_34 = vector.shape_cast %sub3A_33 : vector<256x1xf32> to vector<1x256x1xf32>
    %reduce_sum3A_35 = arith.constant dense<0.000000e+00> : vector<1xf32>
    %reduce_sum3A_36 = vector.multi_reduction <add>, %reduce_sum3A_34, %reduce_sum3A_35 [1, 2] : vector<1x256x1xf32> to vector<1xf32>
    %reduce_sum3A_37 = vector.shape_cast %reduce_sum3A_36 : vector<1xf32> to vector<1x1x1xf32>
    %reduce_sum3A_38 = vector.extract %reduce_sum3A_37[0, 0, 0] : f32 from vector<1x1x1xf32>
    %mul3A = arith.constant 4.8828125E-4 : f32
    %mul3A_39 = arith.mulf %reduce_sum3A_38, %mul3A : f32
    %reshape3A = vector.broadcast %mul3A_39 : f32 to vector<1x1xf32>
    %eq3A_40 = arith.constant 0 : i32
    %eq3A_41 = arith.cmpi eq, %arg0, %eq3A_40 : i32
    %convert_element_type3A = arith.extui %eq3A_41 : i1 to i32
    %cond3A = arith.constant 0 : i32
    %cond3A_42 = arith.cmpi ne, %convert_element_type3A, %cond3A : i32
    scf.if %cond3A_42 {
      %broadcast_in_dim3A_50 = arith.constant 0.000000e+00 : f32
      %broadcast_in_dim3A_51 = vector.broadcast %broadcast_in_dim3A_50 : f32 to vector<1x1xf32>
      %swap3A_52 = arith.constant 0 : index
      %swap3A_53 = arith.constant 0 : index
      %swap3A_54 = vector.load %arg7[%swap3A_52, %swap3A_53] : memref<1x1xf32, #tpu.memory_space<vmem>>, vector<1x1xf32>
      tpu.vector_store %arg7[%swap3A_52, %swap3A_53], %broadcast_in_dim3A_51 {strides = array<i32>} : memref<1x1xf32, #tpu.memory_space<vmem>>, vector<1x1xf32>,
    } else {
    }
    %get3A_43 = arith.constant 0 : index
    %get3A_44 = arith.constant 0 : index
    %get3A_45 = vector.load %arg7[%get3A_43, %get3A_44] : memref<1x1xf32, #tpu.memory_space<vmem>>, vector<1x1xf32>
    %add3A_46 = arith.addf %get3A_45, %reshape3A : vector<1x1xf32>
    %swap3A_47 = arith.constant 0 : index
    %swap3A_48 = arith.constant 0 : index
    %swap3A_49 = vector.load %arg7[%swap3A_47, %swap3A_48] : memref<1x1xf32, #tpu.memory_space<vmem>>, vector<1x1xf32>
    tpu.vector_store %arg7[%swap3A_47, %swap3A_48], %add3A_46 {strides = array<i32>} : memref<1x1xf32, #tpu.memory_space<vmem>>, vector<1x1xf32>,
    return
  }
  func.func @transform_0(%arg0: i32) -> (i32, i32) {
    %c0_i32 = arith.constant 0 : i32
    %c0_i32_0 = arith.constant 0 : i32
    return %arg0, %c0_i32 : i32, i32
  }
  func.func @transform_1(%arg0: i32) -> (i32, i32) {
    %c0_i32 = arith.constant 0 : i32
    %c0_i32_0 = arith.constant 0 : i32
    %c0_i32_1 = arith.constant 0 : i32
    return %c0_i32, %c0_i32_0 : i32, i32
  }
  func.func @transform_2(%arg0: i32) -> (i32, i32) {
    %c0_i32 = arith.constant 0 : i32
    %c0_i32_0 = arith.constant 0 : i32
    %c0_i32_1 = arith.constant 0 : i32
    return %c0_i32, %c0_i32_0 : i32, i32
  }
  func.func @transform_3(%arg0: i32) -> (i32, i32) {
    %c0_i32 = arith.constant 0 : i32
    %c0_i32_0 = arith.constant 0 : i32
    %c0_i32_1 = arith.constant 0 : i32
    return %c0_i32, %c0_i32_0 : i32, i32
  }
  func.func @transform_4(%arg0: i32) -> (i32, i32, i32) {
    %c0_i32 = arith.constant 0 : i32
    %c0_i32_0 = arith.constant 0 : i32
    %c0_i32_1 = arith.constant 0 : i32
    return %arg0, %c0_i32, %c0_i32_0 : i32, i32, i32
  }
  func.func @transform_5(%arg0: i32) -> (i32, i32) {
    %c0_i32 = arith.constant 0 : i32
    %c0_i32_0 = arith.constant 0 : i32
    return %arg0, %c0_i32 : i32, i32
  }
  func.func @transform_6(%arg0: i32) -> (i32, i32) {
    %c0_i32 = arith.constant 0 : i32
    %c0_i32_0 = arith.constant 0 : i32
    %c0_i32_1 = arith.constant 0 : i32
    return %c0_i32, %c0_i32_0 : i32, i32
  }
}

</mosaic_0001>

<sc_bundles>
// kernel: kernel.4.cloned.1.call-start
scs
__scs_entry_jumppad:
0x0: {  	(pc) =	sbr.rel $0x88, $3  }
0x1: {  	(tag) =	ssettag $0x0;
	lr =	simm.s32 $0x1  }
0x2: {  	[smem:$0x3F99] =	sst lr;
	_ =	strace $0xD0000000  }
0x3: {  	_ = 	snop  }
0x4: {  	_ = 	snop  }
0x5: {  	_ = 	snop  }
0x6: {  	_ = 	snop  }
0x7: {  	_ = 	snop  }
__scs_overlays_trampoline_lowered:
0x8: {  	[smem:$0x3FA8] =	sst s0  }
0x9: {  	[smem:$0x3FA9] =	sst s1  }
0xa: {  	[smem:$0x3FAA] =	sst s2  }
0xb: {  	[smem:$0x3FAB] =	sst s3  }
0xc: {  	[smem:$0x3FAC] =	sst s4  }
0xd: {  	[smem:$0x3FAD] =	sst s5  }
0xe: {  	[smem:$0x3FAE] =	sst s6  }
0xf: {  	[smem:$0x3FAF] =	sst s7  }
0x10: {  	[smem:$0x3FB0] =	sst s8  }
0x11: {  	[smem:$0x3FB1] =	sst s9;
	s0 =	simm.s32 @!p0 $0x0  }
0x12: {  	s1 =	sld [smem:$0x3F97];
	s0 =	simm.s32 @p0 $0x1  }
0x13: {  	[smem:$0x3FB2] =	sst s0;
	s0 =	simm.s32 @!p1 $0x0  }
0x14: {  	s2 =	sld [smem:$0x3F96];
	s0 =	simm.s32 @p1 $0x1  }
0x15: {  	[smem:$0x3FB3] =	sst s0;
	s0 =	simm.s32 @!p2 $0x0  }
0x16: {  	s3 =	sld [smem:$0x3FDB];
	s0 =	simm.s32 @p2 $0x1  }
0x17: {  	s4 =	simm.s32 $0x1BF5;
	[smem:$0x3FB5] =	sst s0  }
0x18: {  	s0 =	sld [smem:$0x3F98];
	_ =	swait.ge [sflag:s4], $0x0  }
0x19: {  	s7 =	sld [smem:$0x3F99]  }
0x1a: {  	s8 =	sadd.s32 $0xFFFFE003, lr  }
0x1b: {  	s9 =	sadd.s32 $0xFFFFFEF7, lr;
	s5 =	simm.s32 $0xFFFFFFFF;
	p2 =	slt.u32 s8, $0xFFFFF086  }
0x1c: {  	p1 =	slt.u32 s9, $0xF7A;
	s5 =	simm.s32 @!p2 $0x0  }
0x1d: {  	s5 =	simm.s32 @p1 $0x1;
	p0 =	seq.s32 s7, s2  }
0x1e: {  	s7 =	smul.u32 @!p0 $0xF7A, s2;
	p2 =	seq.s32 @!p0 s5, $0x0  }
0x1f: {  	s9 =	smul.u32 $0xF7A, s1;
	s8 =	simm.s32 @!p0 $0x1BF5;
	p2 =	por !p2, p0  }
0x20: {  	[sflag:s8] =	ssyncset.s32 @!p0 $0xFFFFF086;
	s6 =	sadd.s32 @!p0 s3, s7;
	s7 =	simm.s32 @!p0 $0x108  }
0x21: {  	s3 =	sadd.s32 s3, s9;
	s6 =	sadd.s32 @!p0 $0x88, s6;
	s7 =	simm.s32 @p2 $0x1082  }
0x22: {  	[simem:s7], [sflag:s8] =	dma.local @!p0 [hbm:s6], $0xF7A  }
0x23: {  	s9 =	sor.u32 $0xD0000000, s2;
	s6 =	simm.s32 $0x108;
	_ =	swait.ge @!p0 [sflag:s8], $0x0  }
0x24: {  	s3 =	sadd.s32 $0x88, s3;
	s6 =	simm.s32 @!p1 $0x1082;
	[sflag:s4] =	ssyncset.s32 $0xFFFFF086  }
0x25: {  	[simem:s6], [sflag:s4] =	dma.local [hbm:s3], $0xF7A  }
0x26: {  	[smem:$0x3F99] =	sst s1;
	(tag) =	ssettag s2;
	_ =	strace s9  }
0x27: {  	s1 =	sld [smem:$0x3FA9]  }
0x28: {  	s2 =	sld [smem:$0x3FAA]  }
0x29: {  	s4 =	sld [smem:$0x3FAC]  }
0x2a: {  	p0 =	seq.s32 s5, $0x0;
	s5 =	sld [smem:$0x3FAD]  }
0x2b: {  	s6 =	sld [smem:$0x3FAE]  }
0x2c: {  	s7 =	sld [smem:$0x3FAF]  }
0x2d: {  	s3 =	simm.s32 $0x108;
	s8 =	sld [smem:$0x3FB0]  }
0x2e: {  	s3 =	simm.s32 @!p0 $0x1082;
	s9 =	sld [smem:$0x3FB1]  }
0x2f: {  	lr =	sadd.s32 s0, s3;
	s0 =	sld [smem:$0x3FA8]  }
0x30: {  	s3 =	sld [smem:$0x3FAB]  }
0x31: {  	[smem:$0x3FB4] =	sst s10  }
0x32: {  	s10 =	sld [smem:$0x3FB2];
	_ =	sdelay $0x3  }
0x33: {  	p0 =	seq.s32 s10, $0x1;
	s10 =	sld [smem:$0x3FB4];
	_ =	sdelay $0x3  }
0x34: {  	[smem:$0x3FB4] =	sst s10  }
0x35: {  	s10 =	sld [smem:$0x3FB3];
	_ =	sdelay $0x3  }
0x36: {  	p1 =	seq.s32 s10, $0x1;
	s10 =	sld [smem:$0x3FB4];
	_ =	sdelay $0x3  }
0x37: {  	[smem:$0x3FB4] =	sst s10  }
0x38: {  	s10 =	sld [smem:$0x3FB5]  }
0x39: {  	_ = 	snop;
	(pc) =	sbr.ind lr, $3  }
0x3a: {  	_ = 	snop  }
0x3b: {  	_ = 	snop  }
0x3c: {  	p2 =	seq.s32 s10, $0x1;
	s10 =	sld [smem:$0x3FB4]  }
0x3d: {  	_ =	shalt  }
0x3e: {  	_ =	shalt  }
0x3f: {  	_ =	shalt  }
0x40: {  	_ =	shalt  }
0x41: {  	_ =	shalt  }
0x42: {  	_ =	shalt  }
0x43: {  	_ =	shalt  }
0x44: {  	_ =	shalt  }
0x45: {  	_ =	shalt  }
0x46: {  	_ =	shalt  }
0x47: {  	_ =	shalt  }
0x48: {  	_ =	shalt  }
0x49: {  	_ =	shalt  }
0x4a: {  	_ =	shalt  }
0x4b: {  	_ =	shalt  }
0x4c: {  	_ =	shalt  }
0x4d: {  	_ =	shalt  }
0x4e: {  	_ =	shalt  }
0x4f: {  	_ =	shalt  }
0x50: {  	_ =	shalt  }
0x51: {  	_ =	shalt  }
0x52: {  	_ =	shalt  }
0x53: {  	_ =	shalt  }
0x54: {  	_ =	shalt  }
0x55: {  	_ =	shalt  }
0x56: {  	_ =	shalt  }
0x57: {  	_ =	shalt  }
0x58: {  	_ =	shalt  }
0x59: {  	_ =	shalt  }
0x5a: {  	_ =	shalt  }
0x5b: {  	_ =	shalt  }
0x5c: {  	_ =	shalt  }
0x5d: {  	_ =	shalt  }
0x5e: {  	_ =	shalt  }
0x5f: {  	_ =	shalt  }
0x60: {  	_ =	shalt  }
0x61: {  	_ =	shalt  }
0x62: {  	_ =	shalt  }
0x63: {  	_ =	shalt  }
0x64: {  	_ =	shalt  }
0x65: {  	_ =	shalt  }
0x66: {  	_ =	shalt  }
0x67: {  	_ =	shalt  }
0x68: {  	_ =	shalt  }
0x69: {  	_ =	shalt  }
0x6a: {  	_ =	shalt  }
0x6b: {  	_ =	shalt  }
0x6c: {  	_ =	shalt  }
0x6d: {  	_ =	shalt  }
0x6e: {  	_ =	shalt  }
0x6f: {  	_ =	shalt  }
0x70: {  	_ =	shalt  }
0x71: {  	_ =	shalt  }
0x72: {  	_ =	shalt  }
0x73: {  	_ =	shalt  }
0x74: {  	_ =	shalt  }
0x75: {  	_ =	shalt  }
0x76: {  	_ =	shalt  }
0x77: {  	_ =	shalt  }
0x78: {  	_ =	shalt  }
0x79: {  	_ =	shalt  }
0x7a: {  	_ =	shalt  }
0x7b: {  	_ =	shalt  }
0x7c: {  	_ =	shalt  }
0x7d: {  	_ =	shalt  }
0x7e: {  	_ =	shalt  }
0x7f: {  	_ =	shalt  }
0x80: {  	_ =	shalt  }
0x81: {  	_ =	shalt  }
0x82: {  	_ =	shalt  }
0x83: {  	_ =	shalt  }
0x84: {  	_ =	shalt  }
0x85: {  	_ =	shalt  }
0x86: {  	_ =	shalt  }
0x87: {  	_ =	shalt  }
.Lfunc_end0:
.L_simem_size_0:
called_computation_lowered:
.L_overlay_start_0:
0x88: {  	s2 =	sld [smem:$0x3FD9]  }
0x89: {  	s3 =	sld [smem:$0x3FFE];
	_ =	sdelay $0x1  }
0x8a: {  	s1 =	srdreg.scid  }
0x8b: {  	s0 =	sand.u32 $0x1, s1  }
0x8c: {  	s17 =	sshll.u32 s0, $0xA;
	s2 =	sadd.s32 s3, s2  }
0x8d: {  	s2 =	sadd.s32 s2, s17  }
0x8e: {  	[smem:$0x3FC0] =	sst s2  }
0x8f: {  	_ = 	snop  }
0x90: {  	s2 =	sld [smem:$0x3FC9]  }
0x91: {  	s18 =	sld [smem:$0x3FC8]  }
0x92: {  	s4 =	sld [smem:$0x3FC7]  }
0x93: {  	s5 =	sld [smem:$0x3FC6];
	(tm) =	ssettm $0x1  }
0x94: {  	s6 =	sld [smem:$0x3FFB];
	_ =	sdelay $0x3  }
0x95: {  	_ =	strace s6  }
0x96: {  	s6 =	sld [smem:$0x3FFC];
	_ =	sdelay $0x3  }
0x97: {  	_ =	strace s6  }
0x98: {  	s6 =	sld [smem:$0x3FFD];
	_ =	sdelay $0x3  }
0x99: {  	_ =	strace s6  }
0x9a: {  	_ =	strace $0x8FFFFFFF  }
0x9b: {  	s19 =	sld [smem:$0x3FDB];
	_ =	sdelay $0x1  }
0x9c: {  	s7 =	simm.s32 $_scs_section_size  }
0x9d: {  	s8 =	simm.s32 $_size__tile_overlayer_lowered;
	s9 =	simm.s32 $_tile_overlayer_lowered  }
0x9e: {  	s22 =	simm.s32 $0x1BFF;
	s21 =	sshll.u32 s9, $0x1;
	s6 =	sadd.s32 s7, s19  }
0x9f: {  	s10 =	simm.s32 $0x0;
	s20 =	sshll.u32 s8, $0x1;
	s8 =	sadd.s32 s21, s6  }
0xa0: {  	[timem:s10], [sflag:s22] =	dma.local [hbm:s8], s20  }
0xa1: {  	_ =	swait.ge [sflag:s22], s20  }
0xa2: {  	s7 =	ssub.s32 $0x0, s20;
	[sflag:s22] =	ssyncset.done $0x0  }
0xa3: {  	[sflag:s22] =	ssyncadd.s32 s7;
	_ =	sdelay $0x1  }
0xa4: {  	s23 =	simm.s32 $0x1B8B  }
0xa5: {  	_ =	swait.ge [sflag:s23], $0x1  }
0xa6: {  	[sflag:s23] =	ssyncset.done $0x0  }
0xa7: {  	s25 =	simm.s32 $0x1B8E;
	s24 =	sld [smem:$0x3FFE];
	[sflag:s23] =	ssyncadd.s32 $0xFFFFFFFF  }
0xa8: {  	s26 =	simm.s32 $execute0_lowered;
	[smem:$0x3FD2] =	sst s25  }
0xa9: {  	s8 =	sshll.u32 s26, $0x1;
	_ =	strace $0x80000046;
	[dreg:$0x1] =	wrdreg $0xFFFFFFFF  }
0xaa: {  	s28 =	simm.s32 $_size_execute0_lowered;
	s6 =	sadd.s32 s6, s8;
	[dreg:$0x0] =	wrdreg $0x0  }
0xab: {  	s8 =	sshll.u32 s28, $0x1;
	[dreg:$0x2] =	wrdreg s6  }
0xac: {  	[dreg:$0x3] =	wrdreg s8  }
0xad: {  	[dreg:$0x4] =	wrdreg $0xC0  }
0xae: {  	_ =	task [dreg:s10], $0x5FFFF  }
0xaf: {  	[dreg:$0x1] =	wrdreg $0xFFFFFFFF  }
0xb0: {  	[dreg:$0x0] =	wrdreg $0x60  }
0xb1: {  	[dreg:$0x2] =	wrdreg s18  }
0xb2: {  	[dreg:$0x3] =	wrdreg s2  }
0xb3: {  	[dreg:$0x4] =	wrdreg s5  }
0xb4: {  	[dreg:$0x5] =	wrdreg s4  }
0xb5: {  	[dreg:$0x6] =	wrdreg s24  }
0xb6: {  	[dreg:$0x7] =	wrdreg $0xD4000  }
0xb7: {  	[dreg:$0x8] =	wrdreg $0x9  }
0xb8: {  	_ =	task.clear_ibuf [dreg:s10], $0x9FFFF;
	_ =	strace $0x90000046  }
0xb9: {  	s29 =	simm.s32 $0x9;
	_ =	strace $0x80000048  }
0xba: {  	_ =	swait.ge [sflag:s29], $0x1  }
0xbb: {  	[sflag:s29] =	ssyncadd.s32 $0xFFFFFFFF  }
0xbc: {  	_ =	strace $0x90000048  }
0xbd: {  	_ =	sfence  }
0xbe: {  	s30 =	sld [smem:$0x0];
	_ =	sdelay $0x2  }
0xbf: {  	s31 =	sshll.u32 s1, $0xD;
	s1 =	sshrl.u32 s1, $0x2  }
0xc0: {  	s3 =	sand.u32 $0x4000, s31;
	s1 =	sadd.s32 s1, s30  }
0xc1: {  	s0 =	sor.u32 s3, s0;
	s1 =	sshll.u32 s1, $0x11  }
0xc2: {  	s0 =	sor.u32 s1, s0  }
0xc3: {  	s0 =	sadd.s32 $0x8F2B, s0  }
0xc4: {  	[sflag:s0] =	ssyncadd.remote.s32 $0x1  }
0xc5: {  	_ =	sfence.sel $0xFFFF  }
0xc6: {  	[dreg:$0x0] =	wrdreg $0xFFFFFFFF;
	(pc) =	sbr.abs _section_cstart, $3  }
0xc7: {  	[dreg:$0x1] =	wrdreg $0xFFFFFFFF  }
0xc8: {  	_ =	task.clear_ibuf [dreg:s10], $0x2FFFF;
	_ =	strace $0x9FFFFFFF  }
0xc9: {  	(tm) =	ssettm $0x7FFFFFFF  }
tec
execute0_lowered:
.L_overlay_start_1:
0x0: {  	(tag) =	ssettag $0x1  }
0x1: {  	s0 =	rddreg [dreg:$0x0]  }
0x2: {  	s1 =	rddreg [dreg:$0x1]  }
0x3: {  	s2 =	rddreg [dreg:$0x2]  }
0x4: {  	s4 =	rddreg [dreg:$0x3]  }
0x5: {  	s5 =	rddreg [dreg:$0x4]  }
0x6: {  	s3 =	srdreg.scid;
	s25 =	stileid.u32  }
0x7: {  	s28 =	rddreg [dreg:$0x5];
	s29 =	simm.s32 $0xC400;
	s30 =	simm.s32 $0x2  }
0x8: {  	s23 =	sand.u32 $0x1, s3;
	s10 =	smul.u32 $0xD000, s25;
	s3 =	simm.s32 $0x0  }
0x9: {  	s8 =	smul.u32 $0x30E, s25;
	s11 =	sadd.s32 $0x2DD2, s2;
	s12 =	sadd.s32 $0x2DD2, s4  }
0xa: {  	p0 =	seq.s32 s25, $0xF;
	p1 =	sne.s32 s25, $0xF;
	s6 =	smul.u32 $0xD0000, s23  }
0xb: {  	[smem:$0x7FF] =	sst s3;
	s7 =	ssub.s32 $0x2, s23;
	s22 =	sadd.s32 s0, s8  }
0xc: {  	_ =	strace $0x80000047;
	s26 =	sadd.s32 s1, s8;
	[dreg:$0x7] =	wrdreg s22  }
0xd: {  	s9 =	sshrl.u32 s7, $0x1;
	s31 =	sadd.s32 s2, s8;
	[dreg:$0x8] =	wrdreg s26  }
0xe: {  	s6 =	sadd.s32 s10, s6;
	s24 =	ssub.s32 s7, s9;
	[dreg:$0x9] =	wrdreg s31  }
0xf: {  	s7 =	sadd.s32 s4, s8;
	s8 =	sadd.s32 $0x2DD2, s0;
	s9 =	sadd.s32 $0x2DD2, s1  }
0x10: {  	s10 =	sadd.s32 s10, s28;
	s28 =	sadd.s32 $0xD0000, s28;
	s0 =	simm.s32 $0x3  }
0x11: {  	s6 =	sshrl.u32 s6, $0x3;
	s13 =	sadd.s32 $0x1000, s10;
	s14 =	sadd.s32 $0x2000, s10  }
0x12: {  	s15 =	sadd.s32 $0x3000, s10;
	s16 =	sadd.s32 $0x4000, s10;
	s17 =	sadd.s32 $0x5000, s10  }
0x13: {  	s18 =	sadd.s32 $0x6000, s10;
	s19 =	sadd.s32 $0x7000, s10;
	s20 =	sadd.s32 $0x8000, s10  }
0x14: {  	s21 =	sadd.s32 $0x9000, s10;
	s5 =	sadd.s32 s6, s5;
	s6 =	sshll.u32 s23, $0xA  }
0x15: {  	s22 =	sadd.s32 $0xA000, s10;
	s24 =	smax.u32 s24, $0x1;
	s31 =	sadd.s32 $0x400, s6  }
0x16: {  	v2 =	vimm.f32 $0.0e+00;
	s25 =	sadd.s32 $0xB000, s10;
	s26 =	sadd.s32 $0xC000, s10;
	s23 =	sadd.s32 $0xE00, s5;
	v0 =	vmov s6;
	v1 =	vmov s31  }
.LBB2_1:
0x17: {  	v3 =	vimm.s32 @p0 $0xFFFFFFFF  }
0x18: {  	[tilespmem:$0x1810] =	vst @p0 v3  }
0x19: {  	[tilespmem:$0x3090] =	vst @p0 v3  }
0x1a: {  	[tilespmem:$0x1820] =	vst @p0 v3  }
0x1b: {  	[tilespmem:$0x30A0] =	vst @p0 v3  }
0x1c: {  	[tilespmem:$0x1830] =	vst @p0 v3  }
0x1d: {  	[tilespmem:$0x30B0] =	vst @p0 v3  }
0x1e: {  	[tilespmem:$0x1840] =	vst @p0 v3  }
0x1f: {  	[tilespmem:$0x30C0] =	vst @p0 v3  }
0x20: {  	[tilespmem:$0x1850] =	vst @p0 v3  }
0x21: {  	[tilespmem:$0x30D0] =	vst @p0 v3  }
0x22: {  	[tilespmem:$0x1860] =	vst @p0 v3  }
0x23: {  	[tilespmem:$0x30E0] =	vst @p0 v3  }
0x24: {  	[tilespmem:$0x1870] =	vst @p0 v3  }
0x25: {  	s1 =	simm.s32 @p0 $0x0;
	[tilespmem:$0x30F0] =	vst @p0 v3  }
0x26: {  	[tilespmem:s1], [sflag:$0x1] =	stream.linear.gather @p0 [hbm4b:s8+s1], $0x1810, $0x38;
	[tilespmem:$0x1A408] =	vst v63  }
0x27: {  	s2 =	simm.s32 @p0 $0x3100  }
0x28: {  	[tilespmem:s2], [sflag:$0x1] =	stream.linear.gather @p0 [hbm4b:s9+s1], $0x1810, $0x38;
	[tilespmem:$0x1A408] =	vst v63  }
0x29: {  	s2 =	simm.s32 @p0 $0x1880  }
0x2a: {  	[tilespmem:s2], [sflag:$0x1] =	stream.linear.gather @p0 [hbm4b:s11+s1], $0x1810, $0x38;
	[tilespmem:$0x1A408] =	vst v63  }
0x2b: {  	s2 =	simm.s32 @p0 $0x4980  }
0x2c: {  	v3 =	vimm.s32 @!p0 $0xFFFFFFFF;
	[tilespmem:s2], [sflag:$0x1] =	stream.linear.gather @p0 [hbm4b:s12+s1], $0x1810, $0x38;
	[tilespmem:$0x1A408] =	vst v63  }
0x2d: {  	[tilespmem:$0x1870] =	vst @!p0 v3  }
0x2e: {  	s1 =	simm.s32 @!p0 $0x0;
	s2 =	rddreg [dreg:$0x7];
	[tilespmem:$0x30F0] =	vst @!p0 v3  }
0x2f: {  	[tilespmem:s1], [sflag:$0x1] =	stream.linear.gather @!p0 [hbm4b:s2+s1], $0x1870, $0x38;
	[tilespmem:$0x1A408] =	vst v63  }
0x30: {  	s4 =	rddreg [dreg:$0x8];
	s2 =	simm.s32 @!p0 $0x3100  }
0x31: {  	[tilespmem:s2], [sflag:$0x1] =	stream.linear.gather @!p0 [hbm4b:s4+s1], $0x1870, $0x38;
	[tilespmem:$0x1A408] =	vst v63  }
0x32: {  	s2 =	simm.s32 @!p0 $0x1880;
	s4 =	rddreg [dreg:$0x9]  }
0x33: {  	[tilespmem:s2], [sflag:$0x1] =	stream.linear.gather @!p0 [hbm4b:s4+s1], $0x1870, $0x38;
	[tilespmem:$0x1A408] =	vst v63  }
0x34: {  	s2 =	simm.s32 @!p0 $0x4980  }
0x35: {  	[tilespmem:s2], [sflag:$0x1] =	stream.linear.gather @!p0 [hbm4b:s7+s1], $0x1870, $0x38;
	[tilespmem:$0x1A408] =	vst v63  }
0x36: {  	s1 =	simm.s32 $0x40;
	s2 =	simm.s32 $0x0  }
.LBB2_2:
0x37: {  	p2 =	sne.s32 s1, $0x3FC0;
	[tilespmem:s2+$0xC400] =	vst v2;
	s2 =	smov.u32 s1;
	s1 =	sadd.s32 $0x40, s1  }
.Ltmp0:
0x38: {  	(pc) =	sbr.rel @p2 .LBB2_2-.Ltmp0, $2  }
0x39: {  	_ =	sdelay $0x2  }
0x3a: {  	s2 =	sshra.s32 s2, $0x2  }
0x3b: {  	[tilespmem:s2+$0xC400] =	vst v2  }
0x3c: {  	[spmem:s10] =	stream.linear.scatter [tilespmem:s29], [sflag:$0x2], $0x1000, $0x38;
	[tilespmem:$0x1A408] =	vst v63  }
0x3d: {  	_ = 	snop  }
0x3e: {  	[spmem:s13] =	stream.linear.scatter [tilespmem:s29], [sflag:$0x2], $0x1000, $0x38;
	[tilespmem:$0x1A408] =	vst v63  }
0x3f: {  	_ = 	snop  }
0x40: {  	[spmem:s14] =	stream.linear.scatter [tilespmem:s29], [sflag:$0x2], $0x1000, $0x38;
	[tilespmem:$0x1A408] =	vst v63  }
0x41: {  	_ = 	snop  }
0x42: {  	[spmem:s15] =	stream.linear.scatter [tilespmem:s29], [sflag:$0x2], $0x1000, $0x38;
	[tilespmem:$0x1A408] =	vst v63  }
0x43: {  	_ = 	snop  }
0x44: {  	[spmem:s16] =	stream.linear.scatter [tilespmem:s29], [sflag:$0x2], $0x1000, $0x38;
	[tilespmem:$0x1A408] =	vst v63  }
0x45: {  	_ = 	snop  }
0x46: {  	[spmem:s17] =	stream.linear.scatter [tilespmem:s29], [sflag:$0x2], $0x1000, $0x38;
	[tilespmem:$0x1A408] =	vst v63  }
0x47: {  	_ = 	snop  }
0x48: {  	[spmem:s18] =	stream.linear.scatter [tilespmem:s29], [sflag:$0x2], $0x1000, $0x38;
	[tilespmem:$0x1A408] =	vst v63  }
0x49: {  	_ = 	snop  }
0x4a: {  	[spmem:s19] =	stream.linear.scatter [tilespmem:s29], [sflag:$0x2], $0x1000, $0x38;
	[tilespmem:$0x1A408] =	vst v63  }
0x4b: {  	_ = 	snop  }
0x4c: {  	[spmem:s20] =	stream.linear.scatter [tilespmem:s29], [sflag:$0x2], $0x1000, $0x38;
	[tilespmem:$0x1A408] =	vst v63  }
0x4d: {  	_ = 	snop  }
0x4e: {  	[spmem:s21] =	stream.linear.scatter [tilespmem:s29], [sflag:$0x2], $0x1000, $0x38;
	[tilespmem:$0x1A408] =	vst v63  }
0x4f: {  	_ = 	snop  }
0x50: {  	[spmem:s22] =	stream.linear.scatter [tilespmem:s29], [sflag:$0x2], $0x1000, $0x38;
	[tilespmem:$0x1A408] =	vst v63  }
0x51: {  	_ = 	snop  }
0x52: {  	[spmem:s25] =	stream.linear.scatter [tilespmem:s29], [sflag:$0x2], $0x1000, $0x38;
	[tilespmem:$0x1A408] =	vst v63  }
0x53: {  	_ = 	snop  }
0x54: {  	[spmem:s26] =	stream.linear.scatter [tilespmem:s29], [sflag:$0x2], $0x1000, $0x38;
	[tilespmem:$0x1A408] =	vst v63  }
0x55: {  	s1 =	simm.s32 @p0 $0xC400  }
0x56: {  	[spmem:s28] =	stream.linear.scatter @p0 [tilespmem:s1], [sflag:$0x2], $0x8, $0x38;
	[tilespmem:$0x1A408] =	vst v63  }
0x57: {  	s1 =	simm.s32 @p0 $0x1  }
0x58: {  	_ =	swait.ge @p0 [sflag:s1], $0x1810  }
0x59: {  	[sflag:s1] =	ssyncset.done @p0 $0x0  }
0x5a: {  	[sflag:s1] =	ssyncadd.s32 @p0 $0xFFFFE7F0  }
0x5b: {  	_ =	swait.ge @p0 [sflag:s1], $0x1810  }
0x5c: {  	[sflag:s1] =	ssyncset.done @p0 $0x0  }
0x5d: {  	[sflag:s1] =	ssyncadd.s32 @p0 $0xFFFFE7F0  }
0x5e: {  	_ =	swait.ge @p0 [sflag:s1], $0x1810  }
0x5f: {  	[sflag:s1] =	ssyncset.done @p0 $0x0  }
0x60: {  	[sflag:s1] =	ssyncadd.s32 @p0 $0xFFFFE7F0  }
0x61: {  	_ =	swait.ge @p0 [sflag:s1], $0x1810  }
0x62: {  	[sflag:s1] =	ssyncset.done @p0 $0x0  }
0x63: {  	[sflag:s1] =	ssyncadd.s32 @p0 $0xFFFFE7F0;
	s1 =	simm.s32 @!p0 $0x1  }
0x64: {  	_ =	swait.ge @!p0 [sflag:s1], $0x1870  }
0x65: {  	[sflag:s1] =	ssyncset.done @!p0 $0x0  }
0x66: {  	[sflag:s1] =	ssyncadd.s32 @!p0 $0xFFFFE790  }
0x67: {  	_ =	swait.ge @!p0 [sflag:s1], $0x1870  }
0x68: {  	[sflag:s1] =	ssyncset.done @!p0 $0x0  }
0x69: {  	[sflag:s1] =	ssyncadd.s32 @!p0 $0xFFFFE790  }
0x6a: {  	_ =	swait.ge @!p0 [sflag:s1], $0x1870  }
0x6b: {  	[sflag:s1] =	ssyncset.done @!p0 $0x0  }
0x6c: {  	[sflag:s1] =	ssyncadd.s32 @!p0 $0xFFFFE790  }
0x6d: {  	_ =	swait.ge @!p0 [sflag:s1], $0x1870  }
0x6e: {  	[sflag:s1] =	ssyncset.done @!p0 $0x0  }
0x6f: {  	[sflag:s1] =	ssyncadd.s32 @!p0 $0xFFFFE790;
	s1 =	simm.s32 $0x0  }
0x70: {  	v3 =	vld [tilespmem:s1+$0x0];
	_ =	sdelay $0x2  }
0x71: {  	v4 =	vld [tilespmem:s1+$0x3100];
	_ =	sdelay $0x1  }
0x72: {  	s31 =	simm.s32 $0x10;
	v5 =	vsub.s32 v3, v0  }
0x73: {  	vm0 =	vge.s32 v3, v0;
	vm1 =	vlt.s32 v3, v1;
	v3 =	vld [tilespmem:s31+$0x0];
	v5 =	vmul.u32 $0x340, v5;
	_ =	sdelay $0x1  }
0x74: {  	vm0 =	vmand vm0, vm1;
	v5 =	vadd.s32 v4, v5  }
0x75: {  	v4 =	vld [tilespmem:s31+$0x3100];
	v6 =	vnsel vm0, $0xD0000, v5  }
0x76: {  	s4 =	simm.s32 $0x80;
	s5 =	simm.s32 $0x0;
	s2 =	simm.s32 $0x10;
	v5 =	vsel vm0, $0x3F800000, v2;
	[tilespmem:s1+$0x6200] =	vst v6  }
.LBB2_4:
0x77: {  	s6 =	sshra.s32 s4, $0x2;
	p2 =	sne.s32 s4, $0x61C0;
	s4 =	sadd.s32 $0x40, s4;
	v6 =	vsub.s32 v3, v0;
	[tilespmem:s5+$0x9300] =	vst v5;
	v5 =	vmov v3  }
.Ltmp1:
0x78: {  	s5 =	smov.u32 s2;
	v3 =	vld [tilespmem:s6+$0x0];
	v6 =	vmul.u32 $0x340, v6;
	s2 =	smov.u32 s6;
	(pc) =	sbr.rel @p2 .LBB2_4-.Ltmp1, $4  }
0x79: {  	vm0 =	vge.s32 v5, v0;
	vm1 =	vlt.s32 v5, v1  }
0x7a: {  	vm0 =	vmand vm0, vm1;
	v5 =	vadd.s32 v4, v6  }
0x7b: {  	v4 =	vld [tilespmem:s2+$0x3100];
	v6 =	vnsel vm0, $0xD0000, v5;
	v5 =	vsel vm0, $0x3F800000, v2  }
0x7c: {  	[tilespmem:s5+$0x6200] =	vst v6  }
0x7d: {  	v6 =	vsub.s32 v3, v0  }
0x7e: {  	vm0 =	vge.s32 v3, v0;
	vm1 =	vlt.s32 v3, v1;
	v6 =	vmul.u32 $0x340, v6  }
0x7f: {  	vm0 =	vmand vm0, vm1  }
0x80: {  	[tilespmem:s5+$0x9300] =	vst v5;
	v3 =	vadd.s32 v4, v6;
	v4 =	vsel vm0, $0x3F800000, v2  }
0x81: {  	v3 =	vnsel vm0, $0xD0000, v3;
	[tilespmem:s2+$0x9300] =	vst v4  }
0x82: {  	[tilespmem:s2+$0x6200] =	vst v3  }
0x83: {  	v3 =	vld [tilespmem:s1+$0x1880];
	_ =	sdelay $0x2  }
0x84: {  	v4 =	vld [tilespmem:s1+$0x4980];
	_ =	sdelay $0x1  }
0x85: {  	v5 =	vsub.s32 v3, v0  }
0x86: {  	vm14 =	vge.s32 v3, v0;
	vm15 =	vlt.s32 v3, v1;
	v3 =	vld [tilespmem:s31+$0x1880];
	v5 =	vmul.u32 $0x340, v5;
	_ =	sdelay $0x1  }
0x87: {  	vm0 =	vmand vm14, vm15;
	v5 =	vadd.s32 v4, v5  }
0x88: {  	v4 =	vld [tilespmem:s31+$0x4980];
	v6 =	vnsel vm0, $0xD0000, v5  }
0x89: {  	s2 =	simm.s32 $0x80;
	v5 =	vsel vm0, $0xBF800000, v2;
	[tilespmem:s1+$0x7A80] =	vst v6  }
.LBB2_6:
0x8a: {  	s4 =	sshra.s32 s2, $0x2;
	p2 =	sne.s32 s2, $0x61C0;
	s2 =	sadd.s32 $0x40, s2;
	v6 =	vsub.s32 v3, v0;
	[tilespmem:s1+$0xAB80] =	vst v5;
	v5 =	vmov v3  }
.Ltmp2:
0x8b: {  	s1 =	smov.u32 s31;
	v3 =	vld [tilespmem:s4+$0x1880];
	v6 =	vmul.u32 $0x340, v6;
	s31 =	smov.u32 s4;
	(pc) =	sbr.rel @p2 .LBB2_6-.Ltmp2, $4  }
0x8c: {  	vm0 =	vge.s32 v5, v0;
	vm1 =	vlt.s32 v5, v1  }
0x8d: {  	vm0 =	vmand vm0, vm1;
	v5 =	vadd.s32 v4, v6  }
0x8e: {  	v4 =	vld [tilespmem:s31+$0x4980];
	v6 =	vnsel vm0, $0xD0000, v5;
	v5 =	vsel vm0, $0xBF800000, v2  }
0x8f: {  	[tilespmem:s1+$0x7A80] =	vst v6  }
0x90: {  	v6 =	vsub.s32 v3, v0  }
0x91: {  	vm0 =	vge.s32 v3, v0;
	vm1 =	vlt.s32 v3, v1;
	v6 =	vmul.u32 $0x340, v6  }
0x92: {  	vm0 =	vmand vm0, vm1  }
0x93: {  	[tilespmem:s1+$0xAB80] =	vst v5;
	v63 =	vsel vm0, $0xBF800000, v2;
	v3 =	vadd.s32 v4, v6  }
0x94: {  	[tilespmem:s31+$0xAB80] =	vst v63;
	v3 =	vnsel vm0, $0xD0000, v3  }
0x95: {  	[tilespmem:s31+$0x7A80] =	vst v3  }
0x96: {  	_ =	swait.ge [sflag:s30], $0x1000  }
0x97: {  	[sflag:s30] =	ssyncset.done $0x0  }
0x98: {  	[sflag:s30] =	ssyncadd.s32 $0xFFFFF000  }
0x99: {  	_ =	swait.ge [sflag:s30], $0x1000  }
0x9a: {  	[sflag:s30] =	ssyncset.done $0x0  }
0x9b: {  	[sflag:s30] =	ssyncadd.s32 $0xFFFFF000  }
0x9c: {  	_ =	swait.ge [sflag:s30], $0x1000  }
0x9d: {  	[sflag:s30] =	ssyncset.done $0x0  }
0x9e: {  	[sflag:s30] =	ssyncadd.s32 $0xFFFFF000  }
0x9f: {  	_ =	swait.ge [sflag:s30], $0x1000  }
0xa0: {  	[sflag:s30] =	ssyncset.done $0x0  }
0xa1: {  	[sflag:s30] =	ssyncadd.s32 $0xFFFFF000  }
0xa2: {  	_ =	swait.ge [sflag:s30], $0x1000  }
0xa3: {  	[sflag:s30] =	ssyncset.done $0x0  }
0xa4: {  	[sflag:s30] =	ssyncadd.s32 $0xFFFFF000  }
0xa5: {  	_ =	swait.ge [sflag:s30], $0x1000  }
0xa6: {  	[sflag:s30] =	ssyncset.done $0x0  }
0xa7: {  	[sflag:s30] =	ssyncadd.s32 $0xFFFFF000  }
0xa8: {  	_ =	swait.ge [sflag:s30], $0x1000  }
0xa9: {  	[sflag:s30] =	ssyncset.done $0x0  }
0xaa: {  	[sflag:s30] =	ssyncadd.s32 $0xFFFFF000  }
0xab: {  	_ =	swait.ge [sflag:s30], $0x1000  }
0xac: {  	[sflag:s30] =	ssyncset.done $0x0  }
0xad: {  	[sflag:s30] =	ssyncadd.s32 $0xFFFFF000  }
0xae: {  	_ =	swait.ge [sflag:s30], $0x1000  }
0xaf: {  	[sflag:s30] =	ssyncset.done $0x0  }
0xb0: {  	[sflag:s30] =	ssyncadd.s32 $0xFFFFF000  }
0xb1: {  	_ =	swait.ge [sflag:s30], $0x1000  }
0xb2: {  	[sflag:s30] =	ssyncset.done $0x0  }
0xb3: {  	[sflag:s30] =	ssyncadd.s32 $0xFFFFF000  }
0xb4: {  	_ =	swait.ge [sflag:s30], $0x1000  }
0xb5: {  	[sflag:s30] =	ssyncset.done $0x0  }
0xb6: {  	[sflag:s30] =	ssyncadd.s32 $0xFFFFF000  }
0xb7: {  	_ =	swait.ge [sflag:s30], $0x1000  }
0xb8: {  	[sflag:s30] =	ssyncset.done $0x0  }
0xb9: {  	[sflag:s30] =	ssyncadd.s32 $0xFFFFF000  }
0xba: {  	_ =	swait.ge [sflag:s30], $0x1000  }
0xbb: {  	[sflag:s30] =	ssyncset.done $0x0  }
0xbc: {  	s1 =	simm.s32 @!p1 $0x2;
	[sflag:s30] =	ssyncadd.s32 $0xFFFFF000  }
0xbd: {  	_ =	swait.ge @!p1 [sflag:s1], $0x8  }
0xbe: {  	[sflag:s1] =	ssyncset.done @!p1 $0x0  }
0xbf: {  	[sflag:s1] =	ssyncadd.s32 @!p1 $0xFFFFFFF8  }
0xc0: {  	s2 =	simm.s32 $0x3100;
	[bflag:$0x0] =	sbarrier.arrive $0xFFFF  }
0xc1: {  	s4 =	simm.s32 $0x6200;
	s5 =	simm.s32 $0x9300;
	s31 =	rddreg [dreg:$0x5]  }
0xc2: {  	[spmem:s31] =	stream.indirect.scatter.add.f32 [tilespmem:s5], [sflag:$0x3], $0x1, s4, s2, $0xb8;
	[tilespmem:$0x1A408] =	vst v63  }
0xc3: {  	s6 =	stileid.u32;
	_ =	swait.ge [sflag:s0], $0x3100  }
0xc4: {  	s3 =	sadd.s32 $0x1, s3;
	s1 =	sshll.u32 s6, $0x6;
	[sflag:s0] =	ssyncset.done $0x0  }
0xc5: {  	p2 =	sne.s32 s3, s24;
	s1 =	sor.u32 $0x1C03, s1;
	[sflag:s0] =	ssyncadd.s32 $0xFFFFCF00  }
.Ltmp3:
0xc6: {  	s31 =	sshrl.u32 s10, $0x3;
	[bflag:$0x0] =	sbarrier.arrive $0xFFFF;
	(pc) =	sbr.rel @p2 .LBB2_1-.Ltmp3, $4  }
0xc7: {  	[hbm:s23], [sflag:s1] =	dma.local [spmem:s31], $0x1A00  }
0xc8: {  	_ =	swait.ge [sflag:s0], $0x1A00  }
0xc9: {  	[sflag:s0] =	ssyncset.done $0x0  }
0xca: {  	[sflag:s0] =	ssyncadd.s32 $0xFFFFE600  }
0xcb: {  	_ =	sfence.sel $0x180000  }
0xcc: {  	[bflag:$0x0] =	sbarrier.arrive $0xFFFF  }
0xcd: {  	_ =	strace $0x90000047  }
0xce: {  	s0 =	stileid.u32;
	[bflag:$0x2] =	sbarrier.arrive $0xFFFF  }
0xcf: {  	p0 =	sne.s32 s0, $0x0;
	s0 =	rddreg [dreg:$0x6]  }
0xd0: {  	s0 =	sadd.s32 @!p0 $0x100000, s0  }
0xd1: {  	[sflag:s0] =	ssyncadd.tile.s32 @!p0 $0x1;
	_ =	shalt  }
.Lfunc_end2:
_tile_overlayer_lowered:
.L_overlay_start_2:
0xd2: {  	(tag) =	ssettag $0x2  }
0xd3: {  	s0 =	rddreg [dreg:$0x0];
	s2 =	stileid.u32  }
0xd4: {  	s1 =	rddreg [dreg:$0x1];
	p0 =	sne.s32 s2, $0x0  }
0xd5: {  	s3 =	rddreg [dreg:$0x2];
	[bflag:$0x3] =	sbarrier.arrive $0xFFFF;
	s2 =	simm.s32 @!p0 $0x1C03  }
0xd6: {  	[timem:s3], [sflag:s2] =	dma.local @!p0 [hbm:s0], s1  }
0xd7: {  	s0 =	simm.s32 @!p0 $0x3  }
0xd8: {  	_ =	swait.ge @!p0 [sflag:s0], s1  }
0xd9: {  	s1 =	ssub.s32 @!p0 $0x0, s1;
	[sflag:s0] =	ssyncset.done @!p0 $0x0  }
0xda: {  	[sflag:s0] =	ssyncadd.s32 @!p0 s1  }
0xdb: {  	[bflag:$0x3] =	sbarrier.arrive $0xFFFF  }
0xdc: {  	_ =	shalt  }

</sc_bundles>
